<compile_context>
chip_gen: v7x
topology: tpu7x:2x2x1
jax: 0.10.2.dev20260603
libtpu: 0.0.44.dev20260713+nightly
codegen_flags: <defaults>
</compile_context>

<pallas_src>
import functools

import jax
import jax.numpy as jnp
from jax import lax
from jax.experimental import pallas as pl
from jax.experimental.pallas import tpu as pltpu
from jax.experimental.pallas import tpu_sc as plsc

_B, _N, _C, _K, _TOPK = 2, 2048, 1024, 8, 2
_EPS = 1e-06
_RATIO = 0.1
_LB_W = 0.01

_GATE_BN = 512
_BNE = 512
_P = _B * _N * _TOPK
_NW = 32
_CH = 4
_RPC = _P // (_NW * _CH)


def _gate_kernel(tok_ref, geno_ref, Wg_ref, bg_ref, Wgg_ref, bgg_ref,
                 lb_ref, cnt_ref, dst_ref, src_ref, val_ref,
                 cnts_ref, off_ref):
    b = pl.program_id(0)
    nb = pl.program_id(1)
    nblocks = pl.num_programs(1)
    bn = _GATE_BN

    tok = tok_ref[0]
    lg = jnp.dot(tok, Wg_ref[...], preferred_element_type=jnp.float32)
    g = jnp.dot(geno_ref[0], Wgg_ref[...], preferred_element_type=jnp.float32)
    lg = lg + bg_ref[...] + _RATIO * (g + bgg_ref[...])

    iota = lax.broadcasted_iota(jnp.int32, lg.shape, 1)
    m1 = jnp.max(lg, axis=1, keepdims=True)
    i1 = jnp.min(jnp.where(lg == m1, iota, _K), axis=1, keepdims=True)
    oh1 = iota == i1
    lg2 = jnp.where(oh1, jnp.float32(-1e30), lg)
    m2 = jnp.max(lg2, axis=1, keepdims=True)
    i2 = jnp.min(jnp.where(lg2 == m2, iota, _K), axis=1, keepdims=True)
    oh2 = iota == i2

    e2 = jnp.exp(m2 - m1)
    denom = 1.0 + e2
    w1 = jnp.maximum(1.0 / denom, _EPS)
    w2 = jnp.maximum(e2 / denom, _EPS)
    s = w1 + w2
    w1 = w1 / s
    w2 = w2 / s

    oh1f = oh1.astype(jnp.float32)
    oh2f = oh2.astype(jnp.float32)
    hit = oh1f + oh2f

    r_iota = lax.broadcasted_iota(jnp.int32, (bn, bn), 0)
    c_iota = lax.broadcasted_iota(jnp.int32, (bn, bn), 1)
    lstrict = (r_iota > c_iota).astype(jnp.float32)
    cnt_before = jnp.dot(lstrict, hit, preferred_element_type=jnp.float32)

    @pl.when(nb == 0)
    def _():
        off_ref[...] = jnp.zeros_like(off_ref)

    rank = cnt_before + off_ref[...]
    base = ((b * _K + iota) * _N).astype(jnp.float32)
    poslane = base + rank
    pos1 = jnp.sum(oh1f * poslane, axis=1, keepdims=True)
    pos2 = jnp.sum(oh2f * poslane, axis=1, keepdims=True)
    dstT = jnp.concatenate([pos1, pos2], axis=1).T
    dst_ref[0] = dstT.astype(jnp.int32)

    srow = (b * _N + nb * bn
            + lax.broadcasted_iota(jnp.int32, (2, bn), 1))
    src_ref[0] = srow

    valT = jnp.concatenate([w1, w2], axis=1).T
    val_ref[0] = jnp.broadcast_to(valT[:, :, None], (2, bn, 128))

    off_new = off_ref[...] + jnp.sum(hit, axis=0, keepdims=True)
    off_ref[...] = off_new
    cnts_ref[0] = off_new

    @pl.when((b == 0) & (nb == 0))
    def _():
        cnt_ref[...] = jnp.zeros_like(cnt_ref)

    cnt_ref[...] += jnp.sum(hit, axis=0, keepdims=True)

    @pl.when((b == pl.num_programs(0) - 1) & (nb == nblocks - 1))
    def _():
        usage = cnt_ref[...] * (1.0 / (_B * _N))
        m = jnp.mean(usage)
        v = jnp.mean((usage - m) ** 2)
        lb_ref[...] = (_LB_W * v / (m + _EPS) ** 2).reshape(1, 1)


def _sc_dispatch(tok_hbm, src_hbm, dst_hbm, val_hbm, G_hbm, VS_hbm,
                 gidx_v, sidx_v, rows_v, vs_v, sem):
    wid = lax.axis_index("s") * 2 + lax.axis_index("c")
    for c in range(_CH):
        row = wid * _CH + c
        pltpu.sync_copy(src_hbm.at[row], gidx_v)
        pltpu.async_copy(tok_hbm.at[gidx_v], rows_v, sem).wait()
        pltpu.sync_copy(dst_hbm.at[row], sidx_v)
        pltpu.async_copy(rows_v, G_hbm.at[sidx_v], sem).wait()
        pltpu.sync_copy(val_hbm.at[row], vs_v)
        pltpu.async_copy(vs_v, VS_hbm.at[sidx_v], sem).wait()


def _expert_kernel(cnt_sref, vs_ref, g_ref, W1_ref, b1_ref, W2_ref, b2_ref,
                   out_ref, hacc_ref, wacc_ref, w1bf_ref):
    k = pl.program_id(0)
    b = pl.program_id(1)
    j = pl.program_id(2)
    jmax = pl.num_programs(2)
    cnt = cnt_sref[b * _K + k]

    @pl.when((b == 0) & (j == 0))
    def _():
        w1bf_ref[...] = W1_ref[0].astype(jnp.bfloat16)

    @pl.when(j == 0)
    def _():
        hacc_ref[...] = jnp.zeros_like(hacc_ref)
        wacc_ref[0, 0] = 0.0

    @pl.when(j * _BNE < cnt)
    def _():
        rows = g_ref[0].astype(jnp.bfloat16)
        h = jnp.dot(rows, w1bf_ref[...],
                    preferred_element_type=jnp.float32)
        h = jnp.maximum(h + b1_ref[0], 0.0)
        wv = vs_ref[0][:, 0:1]
        riota = lax.broadcasted_iota(jnp.int32, (_BNE, 1), 0)
        mask = (j * _BNE + riota) < cnt
        hw = jnp.where(mask, h * wv, 0.0)
        hacc_ref[...] += jnp.sum(hw.reshape(_BNE // 8, 8, _C), axis=0)
        wacc_ref[0, 0] += jnp.sum(jnp.where(mask, wv, 0.0))

    @pl.when(j == jmax - 1)
    def _():
        ws = wacc_ref[0, 0]
        hsum = jnp.sum(hacc_ref[...], axis=0, keepdims=True)
        num = jnp.dot(hsum, W2_ref[0],
                      preferred_element_type=jnp.float32) + ws * b2_ref[0]
        out_ref[0] = num / (ws + _EPS)


def _active_block(j, cnt):
    jact = (cnt + _BNE - 1) // _BNE
    return jnp.minimum(j, jnp.maximum(jact - 1, 0))


@jax.jit
def kernel(tokens, geno_vec, Wg, bg, Wgg, bgg, W1, b1, W2, b2):
    B, N, C, K = _B, _N, _C, _K
    gnb = N // _GATE_BN

    lb, _cnt, dst, src, val, cnts = pl.pallas_call(
        _gate_kernel,
        grid=(B, gnb),
        in_specs=[
            pl.BlockSpec((1, _GATE_BN, C), lambda b, n: (b, n, 0)),
            pl.BlockSpec((1, 1, C), lambda b, n: (b, 0, 0)),
            pl.BlockSpec((C, K), lambda b, n: (0, 0)),
            pl.BlockSpec((1, K), lambda b, n: (0, 0)),
            pl.BlockSpec((C, K), lambda b, n: (0, 0)),
            pl.BlockSpec((1, K), lambda b, n: (0, 0)),
        ],
        out_specs=[
            pl.BlockSpec((1, 1), lambda b, n: (0, 0)),
            pl.BlockSpec((1, K), lambda b, n: (0, 0)),
            pl.BlockSpec((1, 2, _GATE_BN), lambda b, n: (b, 0, n)),
            pl.BlockSpec((1, 2, _GATE_BN), lambda b, n: (b, 0, n)),
            pl.BlockSpec((1, 2, _GATE_BN, 128), lambda b, n: (b, 0, n, 0)),
            pl.BlockSpec((1, 1, K), lambda b, n: (b, 0, 0)),
        ],
        out_shape=[
            jax.ShapeDtypeStruct((1, 1), jnp.float32),
            jax.ShapeDtypeStruct((1, K), jnp.float32),
            jax.ShapeDtypeStruct((B, 2, N), jnp.int32),
            jax.ShapeDtypeStruct((B, 2, N), jnp.int32),
            jax.ShapeDtypeStruct((B, 2, N, 128), jnp.float32),
            jax.ShapeDtypeStruct((B, 1, K), jnp.float32),
        ],
        scratch_shapes=[pltpu.VMEM((1, K), jnp.float32)],
    )(tokens, geno_vec.reshape(B, 1, C), Wg, bg.reshape(1, K),
      Wgg, bgg.reshape(1, K))

    tok3 = tokens.reshape(B * N, 8, C // 8)
    srcr = src.reshape(_NW * _CH, _RPC)
    dstr = dst.reshape(_NW * _CH, _RPC)
    valr = val.reshape(_NW * _CH, _RPC, 128)

    mesh = plsc.VectorSubcoreMesh(core_axis_name="c", subcore_axis_name="s")
    G, VS = pl.kernel(
        _sc_dispatch,
        out_type=[
            jax.ShapeDtypeStruct((B * K * N, 8, C // 8), jnp.float32),
            jax.ShapeDtypeStruct((B * K * N, 128), jnp.float32),
        ],
        mesh=mesh,
        scratch_types=[
            pltpu.VMEM((_RPC,), jnp.int32),
            pltpu.VMEM((_RPC,), jnp.int32),
            pltpu.VMEM((_RPC, 8, C // 8), jnp.float32),
            pltpu.VMEM((_RPC, 128), jnp.float32),
            pltpu.SemaphoreType.DMA,
        ],
    )(tok3, srcr, dstr, valr)

    cnt_i = cnts.reshape(B * K).astype(jnp.int32)
    g3 = G.reshape(B * K, N, C)
    vs3 = VS.reshape(B * K, N, 128)
    jblk = N // _BNE

    centers = pl.pallas_call(
        _expert_kernel,
        grid_spec=pltpu.PrefetchScalarGridSpec(
            num_scalar_prefetch=1,
            grid=(K, B, jblk),
            in_specs=[
                pl.BlockSpec(
                    (1, _BNE, 128),
                    lambda k, b, j, s: (b * _K + k,
                                        _active_block(j, s[b * _K + k]), 0)),
                pl.BlockSpec(
                    (1, _BNE, C),
                    lambda k, b, j, s: (b * _K + k,
                                        _active_block(j, s[b * _K + k]), 0)),
                pl.BlockSpec((1, C, C), lambda k, b, j, s: (k, 0, 0)),
                pl.BlockSpec((1, 1, C), lambda k, b, j, s: (k, 0, 0)),
                pl.BlockSpec((1, C, C), lambda k, b, j, s: (k, 0, 0)),
                pl.BlockSpec((1, 1, C), lambda k, b, j, s: (k, 0, 0)),
            ],
            out_specs=pl.BlockSpec(
                (1, 1, C), lambda k, b, j, s: (b * _K + k, 0, 0)),
            scratch_shapes=[
                pltpu.VMEM((8, C), jnp.float32),
                pltpu.SMEM((1, 1), jnp.float32),
                pltpu.VMEM((C, C), jnp.bfloat16),
            ],
        ),
        out_shape=jax.ShapeDtypeStruct((B * K, 1, C), jnp.float32),
    )(cnt_i, vs3, g3, W1, b1.reshape(K, 1, C), W2, b2.reshape(K, 1, C))

    return centers.reshape(B, K, C), lb.reshape(())

# --- scband reference (transcript-rebuilt; emitter-appended) ---
"""Pipeline reference for scband-hssurv-12429635355022 (READ-ONLY COPY).

The authoritative reference and input builder live on the scoring server;
editing this copy changes nothing except your own understanding.
"""

import jax, jax.numpy as jnp
import numpy as np

B, N, C, K, TOPK = 2, 2048, 1024, 8, 2
EPS = 1e-06
GATE_GENO_RATIO = 0.1
LB_W = 0.01
GATE_TEMP = 1.0


def setup_inputs(seed: int = 0) -> dict:
    key = jax.random.key(seed)
    ks = jax.random.split(key, 10)
    scale = 1.0 / np.sqrt(C)
    return {
        "tokens": jax.random.normal(ks[0], (B, N, C), dtype=jnp.float32),
        "geno_vec": jax.random.normal(ks[1], (B, C), dtype=jnp.float32),
        "Wg": jax.random.normal(ks[2], (C, K), dtype=jnp.float32) * 0.001,
        "bg": jnp.zeros((K,), dtype=jnp.float32),
        "Wgg": jax.random.normal(ks[3], (C, K), dtype=jnp.float32) * 0.001,
        "bgg": jnp.zeros((K,), dtype=jnp.float32),
        "W1": jax.random.normal(ks[4], (K, C, C), dtype=jnp.float32) * scale,
        "b1": jnp.zeros((K, C), dtype=jnp.float32),
        "W2": jax.random.normal(ks[5], (K, C, C), dtype=jnp.float32) * scale,
        "b2": jnp.zeros((K, C), dtype=jnp.float32),
    }


def reference(tokens, geno_vec, Wg, bg, Wgg, bgg, W1, b1, W2, b2):
    # gate logits: token gate + genomic-context gate (eval mode: no noise, no dropout)
    logits = jnp.einsum('bnc,ck->bnk', tokens, Wg) + bg
    logits = logits + GATE_GENO_RATIO * (jnp.einsum('bc,ck->bk', geno_vec, Wgg) + bgg)[:, None, :]
    logits = logits / max(GATE_TEMP, 1e-06)
    # top-k routing
    topv, topi = jax.lax.top_k(logits, TOPK)          # [B,N,TOPK]
    topw = jax.nn.softmax(topv, axis=-1)
    topw = jnp.clip(topw, EPS, None)
    topw = topw / topw.sum(axis=-1, keepdims=True)
    onehot = jax.nn.one_hot(topi, K, dtype=tokens.dtype)   # [B,N,TOPK,K]
    w = (topw[..., None] * onehot).sum(axis=2)              # [B,N,K] dense dispatch weights
    # expert FFNs (dense compute over all experts; dropout is identity at eval)
    h = jnp.einsum('bnc,kcd->bknd', tokens, W1) + b1[None, :, None, :]
    h = jax.nn.relu(h)
    y = jnp.einsum('bknd,kde->bkne', h, W2) + b2[None, :, None, :]   # [B,K,N,C]
    # weighted aggregation of routed tokens into per-expert centers [B,K,C]
    num = jnp.einsum('bnk,bknc->bkc', w, y)
    den = w.sum(axis=1)[..., None] + EPS
    centers = num / den
    # hard-usage load-balance loss: CV^2 of expert hit rates
    hit = onehot.sum(axis=2)                # [B,N,K] in {0,1}
    usage = hit.mean(axis=(0, 1))           # [K]
    m = usage.mean()
    s = usage.std()                         # population std (unbiased=False)
    lb_loss = LB_W * (s / (m + EPS)) ** 2
    return centers, lb_loss

if __name__ == "__main__":
    import jax
    _d = setup_inputs()
    print(jax.jit(kernel)(*tuple(_d.values())))

</pallas_src>

<mosaic_0001>
#map = affine_map<(d0, d1) -> (0, 0, 0)>
#map1 = affine_map<(d0, d1) -> (0, 0)>
module attributes {stable_mosaic.version = 14 : i64} {
  func.func @_sc_dispatch(%arg0: i32, %arg1: i32, %arg2: memref<4096x8x128xf32, #tpu.memory_space<hbm>>, %arg3: memref<128x64xi32, #tpu.memory_space<hbm>>, %arg4: memref<128x64xi32, #tpu.memory_space<hbm>>, %arg5: memref<128x64x128xf32, #tpu.memory_space<hbm>>, %arg6: memref<32768x8x128xf32, #tpu.memory_space<hbm>>, %arg7: memref<32768x128xf32, #tpu.memory_space<hbm>>, %arg8: memref<64xi32, #tpu.memory_space<vmem>>, %arg9: memref<64xi32, #tpu.memory_space<vmem>>, %arg10: memref<64x8x128xf32, #tpu.memory_space<vmem>>, %arg11: memref<64x128xf32, #tpu.memory_space<vmem>>, %arg12: memref<!tpu.dma_semaphore, #tpu.memory_space<semaphore_mem>>) attributes {dimension_semantics = [#tpu.dimension_semantics<core_parallel>, #tpu.dimension_semantics<subcore_parallel>], iteration_bounds = array<i64: 2, 16>, scalar_prefetch = 0 : i64, scratch_operands = 5 : i64, tpu.core_type = #tpu.core_type<sc_vector_subcore>, window_params = [{transform_indices = #map}, {transform_indices = #map1}, {transform_indices = #map1}, {transform_indices = #map}, {transform_indices = #map}, {transform_indices = #map1}]} {
    %mul3A = arith.constant 2 : i32
    %mul3A_0 = arith.muli %arg1, %mul3A : i32
    %add3A = arith.addi %mul3A_0, %arg0 : i32
    %mul3A_1 = arith.constant 4 : i32
    %mul3A_2 = arith.muli %add3A, %mul3A_1 : i32
    %add3A_3 = arith.constant 0 : i32
    %add3A_4 = arith.addi %mul3A_2, %add3A_3 : i32
    "tpu.region"() ({
      %run_scoped3A = tpu.sem_alloc : memref<!tpu.dma_semaphore, #tpu.memory_space<semaphore_mem>>
      %dma_start3A_103 = arith.constant 0 : i32
      %dma_start3A_104 = tpu.memref_slice %arg3[%add3A_4, %dma_start3A_103] : memref<128x64xi32, #tpu.memory_space<hbm>> -> memref<1x64xi32, #tpu.memory_space<hbm>>
      %dma_start3A_105 = tpu.memref_squeeze %dma_start3A_104 : memref<1x64xi32, #tpu.memory_space<hbm>> -> memref<64xi32, #tpu.memory_space<hbm>>
      %dma_start3A_106 = arith.constant 0 : i32
      %dma_start3A_107 = tpu.memref_slice %arg3[%add3A_4, %dma_start3A_106] : memref<128x64xi32, #tpu.memory_space<hbm>> -> memref<1x64xi32, #tpu.memory_space<hbm>>
      %dma_start3A_108 = tpu.memref_squeeze %dma_start3A_107 : memref<1x64xi32, #tpu.memory_space<hbm>> -> memref<64xi32, #tpu.memory_space<hbm>>
      tpu.enqueue_dma source(%dma_start3A_108 : memref<64xi32, #tpu.memory_space<hbm>>) target(%arg8 : memref<64xi32, #tpu.memory_space<vmem>>) target_semaphore(%run_scoped3A : memref<!tpu.dma_semaphore, #tpu.memory_space<semaphore_mem>>)
      %dma_wait3A_109 = arith.constant 0 : i32
      %dma_wait3A_110 = tpu.memref_slice %arg3[%add3A_4, %dma_wait3A_109] : memref<128x64xi32, #tpu.memory_space<hbm>> -> memref<1x64xi32, #tpu.memory_space<hbm>>
      %dma_wait3A_111 = tpu.memref_squeeze %dma_wait3A_110 : memref<1x64xi32, #tpu.memory_space<hbm>> -> memref<64xi32, #tpu.memory_space<hbm>>
      %dma_wait3A_112 = arith.constant 0 : i32
      %dma_wait3A_113 = tpu.memref_slice %arg3[%add3A_4, %dma_wait3A_112] : memref<128x64xi32, #tpu.memory_space<hbm>> -> memref<1x64xi32, #tpu.memory_space<hbm>>
      %dma_wait3A_114 = tpu.memref_squeeze %dma_wait3A_113 : memref<1x64xi32, #tpu.memory_space<hbm>> -> memref<64xi32, #tpu.memory_space<hbm>>
      tpu.wait_dma2 semaphore(%run_scoped3A : memref<!tpu.dma_semaphore, #tpu.memory_space<semaphore_mem>>) src(%dma_wait3A_114 : memref<64xi32, #tpu.memory_space<hbm>>) dst(%arg8 : memref<64xi32, #tpu.memory_space<vmem>>)
      tpu.yield
    }) : () -> ()
    %dma_start3A = arith.constant 0 : i32
    %dma_start3A_5 = arith.constant 0 : i32
    %dma_start3A_6 = arith.constant 0 : i32
    %dma_start3A_7 = tpu.memref_slice %arg2[%dma_start3A, %dma_start3A_5, %dma_start3A_6] : memref<4096x8x128xf32, #tpu.memory_space<hbm>> -> memref<4096x8x128xf32, #tpu.memory_space<hbm>>
    tpu.enqueue_indirect_dma source(%dma_start3A_7 : memref<4096x8x128xf32, #tpu.memory_space<hbm>>) target(%arg10 : memref<64x8x128xf32, #tpu.memory_space<vmem>>) offsets(%arg8 : memref<64xi32, #tpu.memory_space<vmem>>) semaphore(%arg12 : memref<!tpu.dma_semaphore, #tpu.memory_space<semaphore_mem>>)
    %dma_wait3A = arith.constant 0 : i32
    %dma_wait3A_8 = arith.constant 0 : i32
    %dma_wait3A_9 = arith.constant 0 : i32
    %dma_wait3A_10 = tpu.memref_slice %arg2[%dma_wait3A, %dma_wait3A_8, %dma_wait3A_9] : memref<4096x8x128xf32, #tpu.memory_space<hbm>> -> memref<4096x8x128xf32, #tpu.memory_space<hbm>>
    tpu.wait_indirect_dma semaphore(%arg12 : memref<!tpu.dma_semaphore, #tpu.memory_space<semaphore_mem>>) src(%dma_wait3A_10 : memref<4096x8x128xf32, #tpu.memory_space<hbm>>) dst(%arg10 : memref<64x8x128xf32, #tpu.memory_space<vmem>>)
    "tpu.region"() ({
      %run_scoped3A = tpu.sem_alloc : memref<!tpu.dma_semaphore, #tpu.memory_space<semaphore_mem>>
      %dma_start3A_103 = arith.constant 0 : i32
      %dma_start3A_104 = tpu.memref_slice %arg4[%add3A_4, %dma_start3A_103] : memref<128x64xi32, #tpu.memory_space<hbm>> -> memref<1x64xi32, #tpu.memory_space<hbm>>
      %dma_start3A_105 = tpu.memref_squeeze %dma_start3A_104 : memref<1x64xi32, #tpu.memory_space<hbm>> -> memref<64xi32, #tpu.memory_space<hbm>>
      %dma_start3A_106 = arith.constant 0 : i32
      %dma_start3A_107 = tpu.memref_slice %arg4[%add3A_4, %dma_start3A_106] : memref<128x64xi32, #tpu.memory_space<hbm>> -> memref<1x64xi32, #tpu.memory_space<hbm>>
      %dma_start3A_108 = tpu.memref_squeeze %dma_start3A_107 : memref<1x64xi32, #tpu.memory_space<hbm>> -> memref<64xi32, #tpu.memory_space<hbm>>
      tpu.enqueue_dma source(%dma_start3A_108 : memref<64xi32, #tpu.memory_space<hbm>>) target(%arg9 : memref<64xi32, #tpu.memory_space<vmem>>) target_semaphore(%run_scoped3A : memref<!tpu.dma_semaphore, #tpu.memory_space<semaphore_mem>>)
      %dma_wait3A_109 = arith.constant 0 : i32
      %dma_wait3A_110 = tpu.memref_slice %arg4[%add3A_4, %dma_wait3A_109] : memref<128x64xi32, #tpu.memory_space<hbm>> -> memref<1x64xi32, #tpu.memory_space<hbm>>
      %dma_wait3A_111 = tpu.memref_squeeze %dma_wait3A_110 : memref<1x64xi32, #tpu.memory_space<hbm>> -> memref<64xi32, #tpu.memory_space<hbm>>
      %dma_wait3A_112 = arith.constant 0 : i32
      %dma_wait3A_113 = tpu.memref_slice %arg4[%add3A_4, %dma_wait3A_112] : memref<128x64xi32, #tpu.memory_space<hbm>> -> memref<1x64xi32, #tpu.memory_space<hbm>>
      %dma_wait3A_114 = tpu.memref_squeeze %dma_wait3A_113 : memref<1x64xi32, #tpu.memory_space<hbm>> -> memref<64xi32, #tpu.memory_space<hbm>>
      tpu.wait_dma2 semaphore(%run_scoped3A : memref<!tpu.dma_semaphore, #tpu.memory_space<semaphore_mem>>) src(%dma_wait3A_114 : memref<64xi32, #tpu.memory_space<hbm>>) dst(%arg9 : memref<64xi32, #tpu.memory_space<vmem>>)
      tpu.yield
    }) : () -> ()
    %dma_start3A_11 = arith.constant 0 : i32
    %dma_start3A_12 = arith.constant 0 : i32
    %dma_start3A_13 = arith.constant 0 : i32
    %dma_start3A_14 = tpu.memref_slice %arg6[%dma_start3A_11, %dma_start3A_12, %dma_start3A_13] : memref<32768x8x128xf32, #tpu.memory_space<hbm>> -> memref<32768x8x128xf32, #tpu.memory_space<hbm>>
    tpu.enqueue_indirect_dma source(%arg10 : memref<64x8x128xf32, #tpu.memory_space<vmem>>) target(%dma_start3A_14 : memref<32768x8x128xf32, #tpu.memory_space<hbm>>) offsets(%arg9 : memref<64xi32, #tpu.memory_space<vmem>>) semaphore(%arg12 : memref<!tpu.dma_semaphore, #tpu.memory_space<semaphore_mem>>)
    %dma_wait3A_15 = arith.constant 0 : i32
    %dma_wait3A_16 = arith.constant 0 : i32
    %dma_wait3A_17 = arith.constant 0 : i32
    %dma_wait3A_18 = tpu.memref_slice %arg6[%dma_wait3A_15, %dma_wait3A_16, %dma_wait3A_17] : memref<32768x8x128xf32, #tpu.memory_space<hbm>> -> memref<32768x8x128xf32, #tpu.memory_space<hbm>>
    tpu.wait_indirect_dma semaphore(%arg12 : memref<!tpu.dma_semaphore, #tpu.memory_space<semaphore_mem>>) src(%arg10 : memref<64x8x128xf32, #tpu.memory_space<vmem>>) dst(%dma_wait3A_18 : memref<32768x8x128xf32, #tpu.memory_space<hbm>>)
    "tpu.region"() ({
      %run_scoped3A = tpu.sem_alloc : memref<!tpu.dma_semaphore, #tpu.memory_space<semaphore_mem>>
      %dma_start3A_103 = arith.constant 0 : i32
      %dma_start3A_104 = arith.constant 0 : i32
      %dma_start3A_105 = tpu.memref_slice %arg5[%add3A_4, %dma_start3A_103, %dma_start3A_104] : memref<128x64x128xf32, #tpu.memory_space<hbm>> -> memref<1x64x128xf32, #tpu.memory_space<hbm>>
      %dma_start3A_106 = tpu.memref_squeeze %dma_start3A_105 : memref<1x64x128xf32, #tpu.memory_space<hbm>> -> memref<64x128xf32, #tpu.memory_space<hbm>>
      %dma_start3A_107 = arith.constant 0 : i32
      %dma_start3A_108 = arith.constant 0 : i32
      %dma_start3A_109 = tpu.memref_slice %arg5[%add3A_4, %dma_start3A_107, %dma_start3A_108] : memref<128x64x128xf32, #tpu.memory_space<hbm>> -> memref<1x64x128xf32, #tpu.memory_space<hbm>>
      %dma_start3A_110 = tpu.memref_squeeze %dma_start3A_109 : memref<1x64x128xf32, #tpu.memory_space<hbm>> -> memref<64x128xf32, #tpu.memory_space<hbm>>
      tpu.enqueue_dma source(%dma_start3A_110 : memref<64x128xf32, #tpu.memory_space<hbm>>) target(%arg11 : memref<64x128xf32, #tpu.memory_space<vmem>>) target_semaphore(%run_scoped3A : memref<!tpu.dma_semaphore, #tpu.memory_space<semaphore_mem>>)
      %dma_wait3A_111 = arith.constant 0 : i32
      %dma_wait3A_112 = arith.constant 0 : i32
      %dma_wait3A_113 = tpu.memref_slice %arg5[%add3A_4, %dma_wait3A_111, %dma_wait3A_112] : memref<128x64x128xf32, #tpu.memory_space<hbm>> -> memref<1x64x128xf32, #tpu.memory_space<hbm>>
      %dma_wait3A_114 = tpu.memref_squeeze %dma_wait3A_113 : memref<1x64x128xf32, #tpu.memory_space<hbm>> -> memref<64x128xf32, #tpu.memory_space<hbm>>
      %dma_wait3A_115 = arith.constant 0 : i32
      %dma_wait3A_116 = arith.constant 0 : i32
      %dma_wait3A_117 = tpu.memref_slice %arg5[%add3A_4, %dma_wait3A_115, %dma_wait3A_116] : memref<128x64x128xf32, #tpu.memory_space<hbm>> -> memref<1x64x128xf32, #tpu.memory_space<hbm>>
      %dma_wait3A_118 = tpu.memref_squeeze %dma_wait3A_117 : memref<1x64x128xf32, #tpu.memory_space<hbm>> -> memref<64x128xf32, #tpu.memory_space<hbm>>
      tpu.wait_dma2 semaphore(%run_scoped3A : memref<!tpu.dma_semaphore, #tpu.memory_space<semaphore_mem>>) src(%dma_wait3A_118 : memref<64x128xf32, #tpu.memory_space<hbm>>) dst(%arg11 : memref<64x128xf32, #tpu.memory_space<vmem>>)
      tpu.yield
    }) : () -> ()
    %dma_start3A_19 = arith.constant 0 : i32
    %dma_start3A_20 = arith.constant 0 : i32
    %dma_start3A_21 = tpu.memref_slice %arg7[%dma_start3A_19, %dma_start3A_20] : memref<32768x128xf32, #tpu.memory_space<hbm>> -> memref<32768x128xf32, #tpu.memory_space<hbm>>
    tpu.enqueue_indirect_dma source(%arg11 : memref<64x128xf32, #tpu.memory_space<vmem>>) target(%dma_start3A_21 : memref<32768x128xf32, #tpu.memory_space<hbm>>) offsets(%arg9 : memref<64xi32, #tpu.memory_space<vmem>>) semaphore(%arg12 : memref<!tpu.dma_semaphore, #tpu.memory_space<semaphore_mem>>)
    %dma_wait3A_22 = arith.constant 0 : i32
    %dma_wait3A_23 = arith.constant 0 : i32
    %dma_wait3A_24 = tpu.memref_slice %arg7[%dma_wait3A_22, %dma_wait3A_23] : memref<32768x128xf32, #tpu.memory_space<hbm>> -> memref<32768x128xf32, #tpu.memory_space<hbm>>
    tpu.wait_indirect_dma semaphore(%arg12 : memref<!tpu.dma_semaphore, #tpu.memory_space<semaphore_mem>>) src(%arg11 : memref<64x128xf32, #tpu.memory_space<vmem>>) dst(%dma_wait3A_24 : memref<32768x128xf32, #tpu.memory_space<hbm>>)
    %mul3A_25 = arith.constant 4 : i32
    %mul3A_26 = arith.muli %add3A, %mul3A_25 : i32
    %add3A_27 = arith.constant 1 : i32
    %add3A_28 = arith.addi %mul3A_26, %add3A_27 : i32
    "tpu.region"() ({
      %run_scoped3A = tpu.sem_alloc : memref<!tpu.dma_semaphore, #tpu.memory_space<semaphore_mem>>
      %dma_start3A_103 = arith.constant 0 : i32
      %dma_start3A_104 = tpu.memref_slice %arg3[%add3A_28, %dma_start3A_103] : memref<128x64xi32, #tpu.memory_space<hbm>> -> memref<1x64xi32, #tpu.memory_space<hbm>>
      %dma_start3A_105 = tpu.memref_squeeze %dma_start3A_104 : memref<1x64xi32, #tpu.memory_space<hbm>> -> memref<64xi32, #tpu.memory_space<hbm>>
      %dma_start3A_106 = arith.constant 0 : i32
      %dma_start3A_107 = tpu.memref_slice %arg3[%add3A_28, %dma_start3A_106] : memref<128x64xi32, #tpu.memory_space<hbm>> -> memref<1x64xi32, #tpu.memory_space<hbm>>
      %dma_start3A_108 = tpu.memref_squeeze %dma_start3A_107 : memref<1x64xi32, #tpu.memory_space<hbm>> -> memref<64xi32, #tpu.memory_space<hbm>>
      tpu.enqueue_dma source(%dma_start3A_108 : memref<64xi32, #tpu.memory_space<hbm>>) target(%arg8 : memref<64xi32, #tpu.memory_space<vmem>>) target_semaphore(%run_scoped3A : memref<!tpu.dma_semaphore, #tpu.memory_space<semaphore_mem>>)
      %dma_wait3A_109 = arith.constant 0 : i32
      %dma_wait3A_110 = tpu.memref_slice %arg3[%add3A_28, %dma_wait3A_109] : memref<128x64xi32, #tpu.memory_space<hbm>> -> memref<1x64xi32, #tpu.memory_space<hbm>>
      %dma_wait3A_111 = tpu.memref_squeeze %dma_wait3A_110 : memref<1x64xi32, #tpu.memory_space<hbm>> -> memref<64xi32, #tpu.memory_space<hbm>>
      %dma_wait3A_112 = arith.constant 0 : i32
      %dma_wait3A_113 = tpu.memref_slice %arg3[%add3A_28, %dma_wait3A_112] : memref<128x64xi32, #tpu.memory_space<hbm>> -> memref<1x64xi32, #tpu.memory_space<hbm>>
      %dma_wait3A_114 = tpu.memref_squeeze %dma_wait3A_113 : memref<1x64xi32, #tpu.memory_space<hbm>> -> memref<64xi32, #tpu.memory_space<hbm>>
      tpu.wait_dma2 semaphore(%run_scoped3A : memref<!tpu.dma_semaphore, #tpu.memory_space<semaphore_mem>>) src(%dma_wait3A_114 : memref<64xi32, #tpu.memory_space<hbm>>) dst(%arg8 : memref<64xi32, #tpu.memory_space<vmem>>)
      tpu.yield
    }) : () -> ()
    %dma_start3A_29 = arith.constant 0 : i32
    %dma_start3A_30 = arith.constant 0 : i32
    %dma_start3A_31 = arith.constant 0 : i32
    %dma_start3A_32 = tpu.memref_slice %arg2[%dma_start3A_29, %dma_start3A_30, %dma_start3A_31] : memref<4096x8x128xf32, #tpu.memory_space<hbm>> -> memref<4096x8x128xf32, #tpu.memory_space<hbm>>
    tpu.enqueue_indirect_dma source(%dma_start3A_32 : memref<4096x8x128xf32, #tpu.memory_space<hbm>>) target(%arg10 : memref<64x8x128xf32, #tpu.memory_space<vmem>>) offsets(%arg8 : memref<64xi32, #tpu.memory_space<vmem>>) semaphore(%arg12 : memref<!tpu.dma_semaphore, #tpu.memory_space<semaphore_mem>>)
    %dma_wait3A_33 = arith.constant 0 : i32
    %dma_wait3A_34 = arith.constant 0 : i32
    %dma_wait3A_35 = arith.constant 0 : i32
    %dma_wait3A_36 = tpu.memref_slice %arg2[%dma_wait3A_33, %dma_wait3A_34, %dma_wait3A_35] : memref<4096x8x128xf32, #tpu.memory_space<hbm>> -> memref<4096x8x128xf32, #tpu.memory_space<hbm>>
    tpu.wait_indirect_dma semaphore(%arg12 : memref<!tpu.dma_semaphore, #tpu.memory_space<semaphore_mem>>) src(%dma_wait3A_36 : memref<4096x8x128xf32, #tpu.memory_space<hbm>>) dst(%arg10 : memref<64x8x128xf32, #tpu.memory_space<vmem>>)
    "tpu.region"() ({
      %run_scoped3A = tpu.sem_alloc : memref<!tpu.dma_semaphore, #tpu.memory_space<semaphore_mem>>
      %dma_start3A_103 = arith.constant 0 : i32
      %dma_start3A_104 = tpu.memref_slice %arg4[%add3A_28, %dma_start3A_103] : memref<128x64xi32, #tpu.memory_space<hbm>> -> memref<1x64xi32, #tpu.memory_space<hbm>>
      %dma_start3A_105 = tpu.memref_squeeze %dma_start3A_104 : memref<1x64xi32, #tpu.memory_space<hbm>> -> memref<64xi32, #tpu.memory_space<hbm>>
      %dma_start3A_106 = arith.constant 0 : i32
      %dma_start3A_107 = tpu.memref_slice %arg4[%add3A_28, %dma_start3A_106] : memref<128x64xi32, #tpu.memory_space<hbm>> -> memref<1x64xi32, #tpu.memory_space<hbm>>
      %dma_start3A_108 = tpu.memref_squeeze %dma_start3A_107 : memref<1x64xi32, #tpu.memory_space<hbm>> -> memref<64xi32, #tpu.memory_space<hbm>>
      tpu.enqueue_dma source(%dma_start3A_108 : memref<64xi32, #tpu.memory_space<hbm>>) target(%arg9 : memref<64xi32, #tpu.memory_space<vmem>>) target_semaphore(%run_scoped3A : memref<!tpu.dma_semaphore, #tpu.memory_space<semaphore_mem>>)
      %dma_wait3A_109 = arith.constant 0 : i32
      %dma_wait3A_110 = tpu.memref_slice %arg4[%add3A_28, %dma_wait3A_109] : memref<128x64xi32, #tpu.memory_space<hbm>> -> memref<1x64xi32, #tpu.memory_space<hbm>>
      %dma_wait3A_111 = tpu.memref_squeeze %dma_wait3A_110 : memref<1x64xi32, #tpu.memory_space<hbm>> -> memref<64xi32, #tpu.memory_space<hbm>>
      %dma_wait3A_112 = arith.constant 0 : i32
      %dma_wait3A_113 = tpu.memref_slice %arg4[%add3A_28, %dma_wait3A_112] : memref<128x64xi32, #tpu.memory_space<hbm>> -> memref<1x64xi32, #tpu.memory_space<hbm>>
      %dma_wait3A_114 = tpu.memref_squeeze %dma_wait3A_113 : memref<1x64xi32, #tpu.memory_space<hbm>> -> memref<64xi32, #tpu.memory_space<hbm>>
      tpu.wait_dma2 semaphore(%run_scoped3A : memref<!tpu.dma_semaphore, #tpu.memory_space<semaphore_mem>>) src(%dma_wait3A_114 : memref<64xi32, #tpu.memory_space<hbm>>) dst(%arg9 : memref<64xi32, #tpu.memory_space<vmem>>)
      tpu.yield
    }) : () -> ()
    %dma_start3A_37 = arith.constant 0 : i32
    %dma_start3A_38 = arith.constant 0 : i32
    %dma_start3A_39 = arith.constant 0 : i32
    %dma_start3A_40 = tpu.memref_slice %arg6[%dma_start3A_37, %dma_start3A_38, %dma_start3A_39] : memref<32768x8x128xf32, #tpu.memory_space<hbm>> -> memref<32768x8x128xf32, #tpu.memory_space<hbm>>
    tpu.enqueue_indirect_dma source(%arg10 : memref<64x8x128xf32, #tpu.memory_space<vmem>>) target(%dma_start3A_40 : memref<32768x8x128xf32, #tpu.memory_space<hbm>>) offsets(%arg9 : memref<64xi32, #tpu.memory_space<vmem>>) semaphore(%arg12 : memref<!tpu.dma_semaphore, #tpu.memory_space<semaphore_mem>>)
    %dma_wait3A_41 = arith.constant 0 : i32
    %dma_wait3A_42 = arith.constant 0 : i32
    %dma_wait3A_43 = arith.constant 0 : i32
    %dma_wait3A_44 = tpu.memref_slice %arg6[%dma_wait3A_41, %dma_wait3A_42, %dma_wait3A_43] : memref<32768x8x128xf32, #tpu.memory_space<hbm>> -> memref<32768x8x128xf32, #tpu.memory_space<hbm>>
    tpu.wait_indirect_dma semaphore(%arg12 : memref<!tpu.dma_semaphore, #tpu.memory_space<semaphore_mem>>) src(%arg10 : memref<64x8x128xf32, #tpu.memory_space<vmem>>) dst(%dma_wait3A_44 : memref<32768x8x128xf32, #tpu.memory_space<hbm>>)
    "tpu.region"() ({
      %run_scoped3A = tpu.sem_alloc : memref<!tpu.dma_semaphore, #tpu.memory_space<semaphore_mem>>
      %dma_start3A_103 = arith.constant 0 : i32
      %dma_start3A_104 = arith.constant 0 : i32
      %dma_start3A_105 = tpu.memref_slice %arg5[%add3A_28, %dma_start3A_103, %dma_start3A_104] : memref<128x64x128xf32, #tpu.memory_space<hbm>> -> memref<1x64x128xf32, #tpu.memory_space<hbm>>
      %dma_start3A_106 = tpu.memref_squeeze %dma_start3A_105 : memref<1x64x128xf32, #tpu.memory_space<hbm>> -> memref<64x128xf32, #tpu.memory_space<hbm>>
      %dma_start3A_107 = arith.constant 0 : i32
      %dma_start3A_108 = arith.constant 0 : i32
      %dma_start3A_109 = tpu.memref_slice %arg5[%add3A_28, %dma_start3A_107, %dma_start3A_108] : memref<128x64x128xf32, #tpu.memory_space<hbm>> -> memref<1x64x128xf32, #tpu.memory_space<hbm>>
      %dma_start3A_110 = tpu.memref_squeeze %dma_start3A_109 : memref<1x64x128xf32, #tpu.memory_space<hbm>> -> memref<64x128xf32, #tpu.memory_space<hbm>>
      tpu.enqueue_dma source(%dma_start3A_110 : memref<64x128xf32, #tpu.memory_space<hbm>>) target(%arg11 : memref<64x128xf32, #tpu.memory_space<vmem>>) target_semaphore(%run_scoped3A : memref<!tpu.dma_semaphore, #tpu.memory_space<semaphore_mem>>)
      %dma_wait3A_111 = arith.constant 0 : i32
      %dma_wait3A_112 = arith.constant 0 : i32
      %dma_wait3A_113 = tpu.memref_slice %arg5[%add3A_28, %dma_wait3A_111, %dma_wait3A_112] : memref<128x64x128xf32, #tpu.memory_space<hbm>> -> memref<1x64x128xf32, #tpu.memory_space<hbm>>
      %dma_wait3A_114 = tpu.memref_squeeze %dma_wait3A_113 : memref<1x64x128xf32, #tpu.memory_space<hbm>> -> memref<64x128xf32, #tpu.memory_space<hbm>>
      %dma_wait3A_115 = arith.constant 0 : i32
      %dma_wait3A_116 = arith.constant 0 : i32
      %dma_wait3A_117 = tpu.memref_slice %arg5[%add3A_28, %dma_wait3A_115, %dma_wait3A_116] : memref<128x64x128xf32, #tpu.memory_space<hbm>> -> memref<1x64x128xf32, #tpu.memory_space<hbm>>
      %dma_wait3A_118 = tpu.memref_squeeze %dma_wait3A_117 : memref<1x64x128xf32, #tpu.memory_space<hbm>> -> memref<64x128xf32, #tpu.memory_space<hbm>>
      tpu.wait_dma2 semaphore(%run_scoped3A : memref<!tpu.dma_semaphore, #tpu.memory_space<semaphore_mem>>) src(%dma_wait3A_118 : memref<64x128xf32, #tpu.memory_space<hbm>>) dst(%arg11 : memref<64x128xf32, #tpu.memory_space<vmem>>)
      tpu.yield
    }) : () -> ()
    %dma_start3A_45 = arith.constant 0 : i32
    %dma_start3A_46 = arith.constant 0 : i32
    %dma_start3A_47 = tpu.memref_slice %arg7[%dma_start3A_45, %dma_start3A_46] : memref<32768x128xf32, #tpu.memory_space<hbm>> -> memref<32768x128xf32, #tpu.memory_space<hbm>>
    tpu.enqueue_indirect_dma source(%arg11 : memref<64x128xf32, #tpu.memory_space<vmem>>) target(%dma_start3A_47 : memref<32768x128xf32, #tpu.memory_space<hbm>>) offsets(%arg9 : memref<64xi32, #tpu.memory_space<vmem>>) semaphore(%arg12 : memref<!tpu.dma_semaphore, #tpu.memory_space<semaphore_mem>>)
    %dma_wait3A_48 = arith.constant 0 : i32
    %dma_wait3A_49 = arith.constant 0 : i32
    %dma_wait3A_50 = tpu.memref_slice %arg7[%dma_wait3A_48, %dma_wait3A_49] : memref<32768x128xf32, #tpu.memory_space<hbm>> -> memref<32768x128xf32, #tpu.memory_space<hbm>>
    tpu.wait_indirect_dma semaphore(%arg12 : memref<!tpu.dma_semaphore, #tpu.memory_space<semaphore_mem>>) src(%arg11 : memref<64x128xf32, #tpu.memory_space<vmem>>) dst(%dma_wait3A_50 : memref<32768x128xf32, #tpu.memory_space<hbm>>)
    %mul3A_51 = arith.constant 4 : i32
    %mul3A_52 = arith.muli %add3A, %mul3A_51 : i32
    %add3A_53 = arith.constant 2 : i32
    %add3A_54 = arith.addi %mul3A_52, %add3A_53 : i32
    "tpu.region"() ({
      %run_scoped3A = tpu.sem_alloc : memref<!tpu.dma_semaphore, #tpu.memory_space<semaphore_mem>>
      %dma_start3A_103 = arith.constant 0 : i32
      %dma_start3A_104 = tpu.memref_slice %arg3[%add3A_54, %dma_start3A_103] : memref<128x64xi32, #tpu.memory_space<hbm>> -> memref<1x64xi32, #tpu.memory_space<hbm>>
      %dma_start3A_105 = tpu.memref_squeeze %dma_start3A_104 : memref<1x64xi32, #tpu.memory_space<hbm>> -> memref<64xi32, #tpu.memory_space<hbm>>
      %dma_start3A_106 = arith.constant 0 : i32
      %dma_start3A_107 = tpu.memref_slice %arg3[%add3A_54, %dma_start3A_106] : memref<128x64xi32, #tpu.memory_space<hbm>> -> memref<1x64xi32, #tpu.memory_space<hbm>>
      %dma_start3A_108 = tpu.memref_squeeze %dma_start3A_107 : memref<1x64xi32, #tpu.memory_space<hbm>> -> memref<64xi32, #tpu.memory_space<hbm>>
      tpu.enqueue_dma source(%dma_start3A_108 : memref<64xi32, #tpu.memory_space<hbm>>) target(%arg8 : memref<64xi32, #tpu.memory_space<vmem>>) target_semaphore(%run_scoped3A : memref<!tpu.dma_semaphore, #tpu.memory_space<semaphore_mem>>)
      %dma_wait3A_109 = arith.constant 0 : i32
      %dma_wait3A_110 = tpu.memref_slice %arg3[%add3A_54, %dma_wait3A_109] : memref<128x64xi32, #tpu.memory_space<hbm>> -> memref<1x64xi32, #tpu.memory_space<hbm>>
      %dma_wait3A_111 = tpu.memref_squeeze %dma_wait3A_110 : memref<1x64xi32, #tpu.memory_space<hbm>> -> memref<64xi32, #tpu.memory_space<hbm>>
      %dma_wait3A_112 = arith.constant 0 : i32
      %dma_wait3A_113 = tpu.memref_slice %arg3[%add3A_54, %dma_wait3A_112] : memref<128x64xi32, #tpu.memory_space<hbm>> -> memref<1x64xi32, #tpu.memory_space<hbm>>
      %dma_wait3A_114 = tpu.memref_squeeze %dma_wait3A_113 : memref<1x64xi32, #tpu.memory_space<hbm>> -> memref<64xi32, #tpu.memory_space<hbm>>
      tpu.wait_dma2 semaphore(%run_scoped3A : memref<!tpu.dma_semaphore, #tpu.memory_space<semaphore_mem>>) src(%dma_wait3A_114 : memref<64xi32, #tpu.memory_space<hbm>>) dst(%arg8 : memref<64xi32, #tpu.memory_space<vmem>>)
      tpu.yield
    }) : () -> ()
    %dma_start3A_55 = arith.constant 0 : i32
    %dma_start3A_56 = arith.constant 0 : i32
    %dma_start3A_57 = arith.constant 0 : i32
    %dma_start3A_58 = tpu.memref_slice %arg2[%dma_start3A_55, %dma_start3A_56, %dma_start3A_57] : memref<4096x8x128xf32, #tpu.memory_space<hbm>> -> memref<4096x8x128xf32, #tpu.memory_space<hbm>>
    tpu.enqueue_indirect_dma source(%dma_start3A_58 : memref<4096x8x128xf32, #tpu.memory_space<hbm>>) target(%arg10 : memref<64x8x128xf32, #tpu.memory_space<vmem>>) offsets(%arg8 : memref<64xi32, #tpu.memory_space<vmem>>) semaphore(%arg12 : memref<!tpu.dma_semaphore, #tpu.memory_space<semaphore_mem>>)
    %dma_wait3A_59 = arith.constant 0 : i32
    %dma_wait3A_60 = arith.constant 0 : i32
    %dma_wait3A_61 = arith.constant 0 : i32
    %dma_wait3A_62 = tpu.memref_slice %arg2[%dma_wait3A_59, %dma_wait3A_60, %dma_wait3A_61] : memref<4096x8x128xf32, #tpu.memory_space<hbm>> -> memref<4096x8x128xf32, #tpu.memory_space<hbm>>
    tpu.wait_indirect_dma semaphore(%arg12 : memref<!tpu.dma_semaphore, #tpu.memory_space<semaphore_mem>>) src(%dma_wait3A_62 : memref<4096x8x128xf32, #tpu.memory_space<hbm>>) dst(%arg10 : memref<64x8x128xf32, #tpu.memory_space<vmem>>)
    "tpu.region"() ({
      %run_scoped3A = tpu.sem_alloc : memref<!tpu.dma_semaphore, #tpu.memory_space<semaphore_mem>>
      %dma_start3A_103 = arith.constant 0 : i32
      %dma_start3A_104 = tpu.memref_slice %arg4[%add3A_54, %dma_start3A_103] : memref<128x64xi32, #tpu.memory_space<hbm>> -> memref<1x64xi32, #tpu.memory_space<hbm>>
      %dma_start3A_105 = tpu.memref_squeeze %dma_start3A_104 : memref<1x64xi32, #tpu.memory_space<hbm>> -> memref<64xi32, #tpu.memory_space<hbm>>
      %dma_start3A_106 = arith.constant 0 : i32
      %dma_start3A_107 = tpu.memref_slice %arg4[%add3A_54, %dma_start3A_106] : memref<128x64xi32, #tpu.memory_space<hbm>> -> memref<1x64xi32, #tpu.memory_space<hbm>>
      %dma_start3A_108 = tpu.memref_squeeze %dma_start3A_107 : memref<1x64xi32, #tpu.memory_space<hbm>> -> memref<64xi32, #tpu.memory_space<hbm>>
      tpu.enqueue_dma source(%dma_start3A_108 : memref<64xi32, #tpu.memory_space<hbm>>) target(%arg9 : memref<64xi32, #tpu.memory_space<vmem>>) target_semaphore(%run_scoped3A : memref<!tpu.dma_semaphore, #tpu.memory_space<semaphore_mem>>)
      %dma_wait3A_109 = arith.constant 0 : i32
      %dma_wait3A_110 = tpu.memref_slice %arg4[%add3A_54, %dma_wait3A_109] : memref<128x64xi32, #tpu.memory_space<hbm>> -> memref<1x64xi32, #tpu.memory_space<hbm>>
      %dma_wait3A_111 = tpu.memref_squeeze %dma_wait3A_110 : memref<1x64xi32, #tpu.memory_space<hbm>> -> memref<64xi32, #tpu.memory_space<hbm>>
      %dma_wait3A_112 = arith.constant 0 : i32
      %dma_wait3A_113 = tpu.memref_slice %arg4[%add3A_54, %dma_wait3A_112] : memref<128x64xi32, #tpu.memory_space<hbm>> -> memref<1x64xi32, #tpu.memory_space<hbm>>
      %dma_wait3A_114 = tpu.memref_squeeze %dma_wait3A_113 : memref<1x64xi32, #tpu.memory_space<hbm>> -> memref<64xi32, #tpu.memory_space<hbm>>
      tpu.wait_dma2 semaphore(%run_scoped3A : memref<!tpu.dma_semaphore, #tpu.memory_space<semaphore_mem>>) src(%dma_wait3A_114 : memref<64xi32, #tpu.memory_space<hbm>>) dst(%arg9 : memref<64xi32, #tpu.memory_space<vmem>>)
      tpu.yield
    }) : () -> ()
    %dma_start3A_63 = arith.constant 0 : i32
    %dma_start3A_64 = arith.constant 0 : i32
    %dma_start3A_65 = arith.constant 0 : i32
    %dma_start3A_66 = tpu.memref_slice %arg6[%dma_start3A_63, %dma_start3A_64, %dma_start3A_65] : memref<32768x8x128xf32, #tpu.memory_space<hbm>> -> memref<32768x8x128xf32, #tpu.memory_space<hbm>>
    tpu.enqueue_indirect_dma source(%arg10 : memref<64x8x128xf32, #tpu.memory_space<vmem>>) target(%dma_start3A_66 : memref<32768x8x128xf32, #tpu.memory_space<hbm>>) offsets(%arg9 : memref<64xi32, #tpu.memory_space<vmem>>) semaphore(%arg12 : memref<!tpu.dma_semaphore, #tpu.memory_space<semaphore_mem>>)
    %dma_wait3A_67 = arith.constant 0 : i32
    %dma_wait3A_68 = arith.constant 0 : i32
    %dma_wait3A_69 = arith.constant 0 : i32
    %dma_wait3A_70 = tpu.memref_slice %arg6[%dma_wait3A_67, %dma_wait3A_68, %dma_wait3A_69] : memref<32768x8x128xf32, #tpu.memory_space<hbm>> -> memref<32768x8x128xf32, #tpu.memory_space<hbm>>
    tpu.wait_indirect_dma semaphore(%arg12 : memref<!tpu.dma_semaphore, #tpu.memory_space<semaphore_mem>>) src(%arg10 : memref<64x8x128xf32, #tpu.memory_space<vmem>>) dst(%dma_wait3A_70 : memref<32768x8x128xf32, #tpu.memory_space<hbm>>)
    "tpu.region"() ({
      %run_scoped3A = tpu.sem_alloc : memref<!tpu.dma_semaphore, #tpu.memory_space<semaphore_mem>>
      %dma_start3A_103 = arith.constant 0 : i32
      %dma_start3A_104 = arith.constant 0 : i32
      %dma_start3A_105 = tpu.memref_slice %arg5[%add3A_54, %dma_start3A_103, %dma_start3A_104] : memref<128x64x128xf32, #tpu.memory_space<hbm>> -> memref<1x64x128xf32, #tpu.memory_space<hbm>>
      %dma_start3A_106 = tpu.memref_squeeze %dma_start3A_105 : memref<1x64x128xf32, #tpu.memory_space<hbm>> -> memref<64x128xf32, #tpu.memory_space<hbm>>
      %dma_start3A_107 = arith.constant 0 : i32
      %dma_start3A_108 = arith.constant 0 : i32
      %dma_start3A_109 = tpu.memref_slice %arg5[%add3A_54, %dma_start3A_107, %dma_start3A_108] : memref<128x64x128xf32, #tpu.memory_space<hbm>> -> memref<1x64x128xf32, #tpu.memory_space<hbm>>
      %dma_start3A_110 = tpu.memref_squeeze %dma_start3A_109 : memref<1x64x128xf32, #tpu.memory_space<hbm>> -> memref<64x128xf32, #tpu.memory_space<hbm>>
      tpu.enqueue_dma source(%dma_start3A_110 : memref<64x128xf32, #tpu.memory_space<hbm>>) target(%arg11 : memref<64x128xf32, #tpu.memory_space<vmem>>) target_semaphore(%run_scoped3A : memref<!tpu.dma_semaphore, #tpu.memory_space<semaphore_mem>>)
      %dma_wait3A_111 = arith.constant 0 : i32
      %dma_wait3A_112 = arith.constant 0 : i32
      %dma_wait3A_113 = tpu.memref_slice %arg5[%add3A_54, %dma_wait3A_111, %dma_wait3A_112] : memref<128x64x128xf32, #tpu.memory_space<hbm>> -> memref<1x64x128xf32, #tpu.memory_space<hbm>>
      %dma_wait3A_114 = tpu.memref_squeeze %dma_wait3A_113 : memref<1x64x128xf32, #tpu.memory_space<hbm>> -> memref<64x128xf32, #tpu.memory_space<hbm>>
      %dma_wait3A_115 = arith.constant 0 : i32
      %dma_wait3A_116 = arith.constant 0 : i32
      %dma_wait3A_117 = tpu.memref_slice %arg5[%add3A_54, %dma_wait3A_115, %dma_wait3A_116] : memref<128x64x128xf32, #tpu.memory_space<hbm>> -> memref<1x64x128xf32, #tpu.memory_space<hbm>>
      %dma_wait3A_118 = tpu.memref_squeeze %dma_wait3A_117 : memref<1x64x128xf32, #tpu.memory_space<hbm>> -> memref<64x128xf32, #tpu.memory_space<hbm>>
      tpu.wait_dma2 semaphore(%run_scoped3A : memref<!tpu.dma_semaphore, #tpu.memory_space<semaphore_mem>>) src(%dma_wait3A_118 : memref<64x128xf32, #tpu.memory_space<hbm>>) dst(%arg11 : memref<64x128xf32, #tpu.memory_space<vmem>>)
      tpu.yield
    }) : () -> ()
    %dma_start3A_71 = arith.constant 0 : i32
    %dma_start3A_72 = arith.constant 0 : i32
    %dma_start3A_73 = tpu.memref_slice %arg7[%dma_start3A_71, %dma_start3A_72] : memref<32768x128xf32, #tpu.memory_space<hbm>> -> memref<32768x128xf32, #tpu.memory_space<hbm>>
    tpu.enqueue_indirect_dma source(%arg11 : memref<64x128xf32, #tpu.memory_space<vmem>>) target(%dma_start3A_73 : memref<32768x128xf32, #tpu.memory_space<hbm>>) offsets(%arg9 : memref<64xi32, #tpu.memory_space<vmem>>) semaphore(%arg12 : memref<!tpu.dma_semaphore, #tpu.memory_space<semaphore_mem>>)
    %dma_wait3A_74 = arith.constant 0 : i32
    %dma_wait3A_75 = arith.constant 0 : i32
    %dma_wait3A_76 = tpu.memref_slice %arg7[%dma_wait3A_74, %dma_wait3A_75] : memref<32768x128xf32, #tpu.memory_space<hbm>> -> memref<32768x128xf32, #tpu.memory_space<hbm>>
    tpu.wait_indirect_dma semaphore(%arg12 : memref<!tpu.dma_semaphore, #tpu.memory_space<semaphore_mem>>) src(%arg11 : memref<64x128xf32, #tpu.memory_space<vmem>>) dst(%dma_wait3A_76 : memref<32768x128xf32, #tpu.memory_space<hbm>>)
    %mul3A_77 = arith.constant 4 : i32
    %mul3A_78 = arith.muli %add3A, %mul3A_77 : i32
    %add3A_79 = arith.constant 3 : i32
    %add3A_80 = arith.addi %mul3A_78, %add3A_79 : i32
    "tpu.region"() ({
      %run_scoped3A = tpu.sem_alloc : memref<!tpu.dma_semaphore, #tpu.memory_space<semaphore_mem>>
      %dma_start3A_103 = arith.constant 0 : i32
      %dma_start3A_104 = tpu.memref_slice %arg3[%add3A_80, %dma_start3A_103] : memref<128x64xi32, #tpu.memory_space<hbm>> -> memref<1x64xi32, #tpu.memory_space<hbm>>
      %dma_start3A_105 = tpu.memref_squeeze %dma_start3A_104 : memref<1x64xi32, #tpu.memory_space<hbm>> -> memref<64xi32, #tpu.memory_space<hbm>>
      %dma_start3A_106 = arith.constant 0 : i32
      %dma_start3A_107 = tpu.memref_slice %arg3[%add3A_80, %dma_start3A_106] : memref<128x64xi32, #tpu.memory_space<hbm>> -> memref<1x64xi32, #tpu.memory_space<hbm>>
      %dma_start3A_108 = tpu.memref_squeeze %dma_start3A_107 : memref<1x64xi32, #tpu.memory_space<hbm>> -> memref<64xi32, #tpu.memory_space<hbm>>
      tpu.enqueue_dma source(%dma_start3A_108 : memref<64xi32, #tpu.memory_space<hbm>>) target(%arg8 : memref<64xi32, #tpu.memory_space<vmem>>) target_semaphore(%run_scoped3A : memref<!tpu.dma_semaphore, #tpu.memory_space<semaphore_mem>>)
      %dma_wait3A_109 = arith.constant 0 : i32
      %dma_wait3A_110 = tpu.memref_slice %arg3[%add3A_80, %dma_wait3A_109] : memref<128x64xi32, #tpu.memory_space<hbm>> -> memref<1x64xi32, #tpu.memory_space<hbm>>
      %dma_wait3A_111 = tpu.memref_squeeze %dma_wait3A_110 : memref<1x64xi32, #tpu.memory_space<hbm>> -> memref<64xi32, #tpu.memory_space<hbm>>
      %dma_wait3A_112 = arith.constant 0 : i32
      %dma_wait3A_113 = tpu.memref_slice %arg3[%add3A_80, %dma_wait3A_112] : memref<128x64xi32, #tpu.memory_space<hbm>> -> memref<1x64xi32, #tpu.memory_space<hbm>>
      %dma_wait3A_114 = tpu.memref_squeeze %dma_wait3A_113 : memref<1x64xi32, #tpu.memory_space<hbm>> -> memref<64xi32, #tpu.memory_space<hbm>>
      tpu.wait_dma2 semaphore(%run_scoped3A : memref<!tpu.dma_semaphore, #tpu.memory_space<semaphore_mem>>) src(%dma_wait3A_114 : memref<64xi32, #tpu.memory_space<hbm>>) dst(%arg8 : memref<64xi32, #tpu.memory_space<vmem>>)
      tpu.yield
    }) : () -> ()
    %dma_start3A_81 = arith.constant 0 : i32
    %dma_start3A_82 = arith.constant 0 : i32
    %dma_start3A_83 = arith.constant 0 : i32
    %dma_start3A_84 = tpu.memref_slice %arg2[%dma_start3A_81, %dma_start3A_82, %dma_start3A_83] : memref<4096x8x128xf32, #tpu.memory_space<hbm>> -> memref<4096x8x128xf32, #tpu.memory_space<hbm>>
    tpu.enqueue_indirect_dma source(%dma_start3A_84 : memref<4096x8x128xf32, #tpu.memory_space<hbm>>) target(%arg10 : memref<64x8x128xf32, #tpu.memory_space<vmem>>) offsets(%arg8 : memref<64xi32, #tpu.memory_space<vmem>>) semaphore(%arg12 : memref<!tpu.dma_semaphore, #tpu.memory_space<semaphore_mem>>)
    %dma_wait3A_85 = arith.constant 0 : i32
    %dma_wait3A_86 = arith.constant 0 : i32
    %dma_wait3A_87 = arith.constant 0 : i32
    %dma_wait3A_88 = tpu.memref_slice %arg2[%dma_wait3A_85, %dma_wait3A_86, %dma_wait3A_87] : memref<4096x8x128xf32, #tpu.memory_space<hbm>> -> memref<4096x8x128xf32, #tpu.memory_space<hbm>>
    tpu.wait_indirect_dma semaphore(%arg12 : memref<!tpu.dma_semaphore, #tpu.memory_space<semaphore_mem>>) src(%dma_wait3A_88 : memref<4096x8x128xf32, #tpu.memory_space<hbm>>) dst(%arg10 : memref<64x8x128xf32, #tpu.memory_space<vmem>>)
    "tpu.region"() ({
      %run_scoped3A = tpu.sem_alloc : memref<!tpu.dma_semaphore, #tpu.memory_space<semaphore_mem>>
      %dma_start3A_103 = arith.constant 0 : i32
      %dma_start3A_104 = tpu.memref_slice %arg4[%add3A_80, %dma_start3A_103] : memref<128x64xi32, #tpu.memory_space<hbm>> -> memref<1x64xi32, #tpu.memory_space<hbm>>
      %dma_start3A_105 = tpu.memref_squeeze %dma_start3A_104 : memref<1x64xi32, #tpu.memory_space<hbm>> -> memref<64xi32, #tpu.memory_space<hbm>>
      %dma_start3A_106 = arith.constant 0 : i32
      %dma_start3A_107 = tpu.memref_slice %arg4[%add3A_80, %dma_start3A_106] : memref<128x64xi32, #tpu.memory_space<hbm>> -> memref<1x64xi32, #tpu.memory_space<hbm>>
      %dma_start3A_108 = tpu.memref_squeeze %dma_start3A_107 : memref<1x64xi32, #tpu.memory_space<hbm>> -> memref<64xi32, #tpu.memory_space<hbm>>
      tpu.enqueue_dma source(%dma_start3A_108 : memref<64xi32, #tpu.memory_space<hbm>>) target(%arg9 : memref<64xi32, #tpu.memory_space<vmem>>) target_semaphore(%run_scoped3A : memref<!tpu.dma_semaphore, #tpu.memory_space<semaphore_mem>>)
      %dma_wait3A_109 = arith.constant 0 : i32
      %dma_wait3A_110 = tpu.memref_slice %arg4[%add3A_80, %dma_wait3A_109] : memref<128x64xi32, #tpu.memory_space<hbm>> -> memref<1x64xi32, #tpu.memory_space<hbm>>
      %dma_wait3A_111 = tpu.memref_squeeze %dma_wait3A_110 : memref<1x64xi32, #tpu.memory_space<hbm>> -> memref<64xi32, #tpu.memory_space<hbm>>
      %dma_wait3A_112 = arith.constant 0 : i32
      %dma_wait3A_113 = tpu.memref_slice %arg4[%add3A_80, %dma_wait3A_112] : memref<128x64xi32, #tpu.memory_space<hbm>> -> memref<1x64xi32, #tpu.memory_space<hbm>>
      %dma_wait3A_114 = tpu.memref_squeeze %dma_wait3A_113 : memref<1x64xi32, #tpu.memory_space<hbm>> -> memref<64xi32, #tpu.memory_space<hbm>>
      tpu.wait_dma2 semaphore(%run_scoped3A : memref<!tpu.dma_semaphore, #tpu.memory_space<semaphore_mem>>) src(%dma_wait3A_114 : memref<64xi32, #tpu.memory_space<hbm>>) dst(%arg9 : memref<64xi32, #tpu.memory_space<vmem>>)
      tpu.yield
    }) : () -> ()
    %dma_start3A_89 = arith.constant 0 : i32
    %dma_start3A_90 = arith.constant 0 : i32
    %dma_start3A_91 = arith.constant 0 : i32
    %dma_start3A_92 = tpu.memref_slice %arg6[%dma_start3A_89, %dma_start3A_90, %dma_start3A_91] : memref<32768x8x128xf32, #tpu.memory_space<hbm>> -> memref<32768x8x128xf32, #tpu.memory_space<hbm>>
    tpu.enqueue_indirect_dma source(%arg10 : memref<64x8x128xf32, #tpu.memory_space<vmem>>) target(%dma_start3A_92 : memref<32768x8x128xf32, #tpu.memory_space<hbm>>) offsets(%arg9 : memref<64xi32, #tpu.memory_space<vmem>>) semaphore(%arg12 : memref<!tpu.dma_semaphore, #tpu.memory_space<semaphore_mem>>)
    %dma_wait3A_93 = arith.constant 0 : i32
    %dma_wait3A_94 = arith.constant 0 : i32
    %dma_wait3A_95 = arith.constant 0 : i32
    %dma_wait3A_96 = tpu.memref_slice %arg6[%dma_wait3A_93, %dma_wait3A_94, %dma_wait3A_95] : memref<32768x8x128xf32, #tpu.memory_space<hbm>> -> memref<32768x8x128xf32, #tpu.memory_space<hbm>>
    tpu.wait_indirect_dma semaphore(%arg12 : memref<!tpu.dma_semaphore, #tpu.memory_space<semaphore_mem>>) src(%arg10 : memref<64x8x128xf32, #tpu.memory_space<vmem>>) dst(%dma_wait3A_96 : memref<32768x8x128xf32, #tpu.memory_space<hbm>>)
    "tpu.region"() ({
      %run_scoped3A = tpu.sem_alloc : memref<!tpu.dma_semaphore, #tpu.memory_space<semaphore_mem>>
      %dma_start3A_103 = arith.constant 0 : i32
      %dma_start3A_104 = arith.constant 0 : i32
      %dma_start3A_105 = tpu.memref_slice %arg5[%add3A_80, %dma_start3A_103, %dma_start3A_104] : memref<128x64x128xf32, #tpu.memory_space<hbm>> -> memref<1x64x128xf32, #tpu.memory_space<hbm>>
      %dma_start3A_106 = tpu.memref_squeeze %dma_start3A_105 : memref<1x64x128xf32, #tpu.memory_space<hbm>> -> memref<64x128xf32, #tpu.memory_space<hbm>>
      %dma_start3A_107 = arith.constant 0 : i32
      %dma_start3A_108 = arith.constant 0 : i32
      %dma_start3A_109 = tpu.memref_slice %arg5[%add3A_80, %dma_start3A_107, %dma_start3A_108] : memref<128x64x128xf32, #tpu.memory_space<hbm>> -> memref<1x64x128xf32, #tpu.memory_space<hbm>>
      %dma_start3A_110 = tpu.memref_squeeze %dma_start3A_109 : memref<1x64x128xf32, #tpu.memory_space<hbm>> -> memref<64x128xf32, #tpu.memory_space<hbm>>
      tpu.enqueue_dma source(%dma_start3A_110 : memref<64x128xf32, #tpu.memory_space<hbm>>) target(%arg11 : memref<64x128xf32, #tpu.memory_space<vmem>>) target_semaphore(%run_scoped3A : memref<!tpu.dma_semaphore, #tpu.memory_space<semaphore_mem>>)
      %dma_wait3A_111 = arith.constant 0 : i32
      %dma_wait3A_112 = arith.constant 0 : i32
      %dma_wait3A_113 = tpu.memref_slice %arg5[%add3A_80, %dma_wait3A_111, %dma_wait3A_112] : memref<128x64x128xf32, #tpu.memory_space<hbm>> -> memref<1x64x128xf32, #tpu.memory_space<hbm>>
      %dma_wait3A_114 = tpu.memref_squeeze %dma_wait3A_113 : memref<1x64x128xf32, #tpu.memory_space<hbm>> -> memref<64x128xf32, #tpu.memory_space<hbm>>
      %dma_wait3A_115 = arith.constant 0 : i32
      %dma_wait3A_116 = arith.constant 0 : i32
      %dma_wait3A_117 = tpu.memref_slice %arg5[%add3A_80, %dma_wait3A_115, %dma_wait3A_116] : memref<128x64x128xf32, #tpu.memory_space<hbm>> -> memref<1x64x128xf32, #tpu.memory_space<hbm>>
      %dma_wait3A_118 = tpu.memref_squeeze %dma_wait3A_117 : memref<1x64x128xf32, #tpu.memory_space<hbm>> -> memref<64x128xf32, #tpu.memory_space<hbm>>
      tpu.wait_dma2 semaphore(%run_scoped3A : memref<!tpu.dma_semaphore, #tpu.memory_space<semaphore_mem>>) src(%dma_wait3A_118 : memref<64x128xf32, #tpu.memory_space<hbm>>) dst(%arg11 : memref<64x128xf32, #tpu.memory_space<vmem>>)
      tpu.yield
    }) : () -> ()
    %dma_start3A_97 = arith.constant 0 : i32
    %dma_start3A_98 = arith.constant 0 : i32
    %dma_start3A_99 = tpu.memref_slice %arg7[%dma_start3A_97, %dma_start3A_98] : memref<32768x128xf32, #tpu.memory_space<hbm>> -> memref<32768x128xf32, #tpu.memory_space<hbm>>
    tpu.enqueue_indirect_dma source(%arg11 : memref<64x128xf32, #tpu.memory_space<vmem>>) target(%dma_start3A_99 : memref<32768x128xf32, #tpu.memory_space<hbm>>) offsets(%arg9 : memref<64xi32, #tpu.memory_space<vmem>>) semaphore(%arg12 : memref<!tpu.dma_semaphore, #tpu.memory_space<semaphore_mem>>)
    %dma_wait3A_100 = arith.constant 0 : i32
    %dma_wait3A_101 = arith.constant 0 : i32
    %dma_wait3A_102 = tpu.memref_slice %arg7[%dma_wait3A_100, %dma_wait3A_101] : memref<32768x128xf32, #tpu.memory_space<hbm>> -> memref<32768x128xf32, #tpu.memory_space<hbm>>
    tpu.wait_indirect_dma semaphore(%arg12 : memref<!tpu.dma_semaphore, #tpu.memory_space<semaphore_mem>>) src(%arg11 : memref<64x128xf32, #tpu.memory_space<vmem>>) dst(%dma_wait3A_102 : memref<32768x128xf32, #tpu.memory_space<hbm>>)
    return
  }
}

module attributes {stable_mosaic.version = 14 : i64} {
  func.func @_gate_kernel(%arg0: i32, %arg1: i32, %arg2: memref<1x512x1024xf32, #tpu.memory_space<vmem>>, %arg3: memref<1x1x1024xf32, #tpu.memory_space<vmem>>, %arg4: memref<1024x8xf32, #tpu.memory_space<vmem>>, %arg5: memref<1x8xf32, #tpu.memory_space<vmem>>, %arg6: memref<1024x8xf32, #tpu.memory_space<vmem>>, %arg7: memref<1x8xf32, #tpu.memory_space<vmem>>, %arg8: memref<1x1xf32, #tpu.memory_space<vmem>>, %arg9: memref<1x8xf32, #tpu.memory_space<vmem>>, %arg10: memref<1x2x512xi32, #tpu.memory_space<vmem>>, %arg11: memref<1x2x512xi32, #tpu.memory_space<vmem>>, %arg12: memref<1x2x512x128xf32, #tpu.memory_space<vmem>>, %arg13: memref<1x1x8xf32, #tpu.memory_space<vmem>>, %arg14: memref<1x8xf32, #tpu.memory_space<vmem>>) attributes {dimension_semantics = [#tpu.dimension_semantics<arbitrary>, #tpu.dimension_semantics<arbitrary>], iteration_bounds = array<i64: 2, 4>, scalar_prefetch = 0 : i64, scratch_operands = 1 : i64, tpu.core_type = #tpu.core_type<tc>, window_params = [{transform_indices = @transform_0, window_bounds = array<i64: 1, 512, 1024>}, {transform_indices = @transform_1, window_bounds = array<i64: 1, 1, 1024>}, {pipeline_mode = #tpu.pipeline_mode<synchronous>, transform_indices = @transform_2, window_bounds = array<i64: 1024, 8>}, {pipeline_mode = #tpu.pipeline_mode<synchronous>, transform_indices = @transform_3, window_bounds = array<i64: 1, 8>}, {pipeline_mode = #tpu.pipeline_mode<synchronous>, transform_indices = @transform_4, window_bounds = array<i64: 1024, 8>}, {pipeline_mode = #tpu.pipeline_mode<synchronous>, transform_indices = @transform_5, window_bounds = array<i64: 1, 8>}, {pipeline_mode = #tpu.pipeline_mode<synchronous>, transform_indices = @transform_6, window_bounds = array<i64: 1, 1>}, {pipeline_mode = #tpu.pipeline_mode<synchronous>, transform_indices = @transform_7, window_bounds = array<i64: 1, 8>}, {transform_indices = @transform_8, window_bounds = array<i64: 1, 2, 512>}, {transform_indices = @transform_9, window_bounds = array<i64: 1, 2, 512>}, {transform_indices = @transform_10, window_bounds = array<i64: 1, 2, 512, 128>}, {transform_indices = @transform_11, window_bounds = array<i64: 1, 1, 8>}]} {
    %get3A = arith.constant 0 : index
    %get3A_0 = arith.constant 0 : index
    %get3A_1 = arith.constant 0 : index
    %get3A_2 = vector.load %arg2[%get3A, %get3A_0, %get3A_1] : memref<1x512x1024xf32, #tpu.memory_space<vmem>>, vector<1x512x1024xf32>
    %get3A_3 = vector.shape_cast %get3A_2 : vector<1x512x1024xf32> to vector<512x1024xf32>
    %get3A_4 = arith.constant 0 : index
    %get3A_5 = arith.constant 0 : index
    %get3A_6 = vector.load %arg4[%get3A_4, %get3A_5] : memref<1024x8xf32, #tpu.memory_space<vmem>>, vector<1024x8xf32>
    %dot_general3A = arith.constant dense<0.000000e+00> : vector<512x8xf32>
    %dot_general3A_7 = tpu.matmul %get3A_3, %get3A_6, %dot_general3A {dimension_numbers = #tpu.dot_dimension_numbers<[1], [0], [0], [1], [0, 0, 1, 1], [], []>, transpose_lhs_hint = false} : vector<512x1024xf32>, vector<1024x8xf32>, vector<512x8xf32> -> vector<512x8xf32>
    %get3A_8 = arith.constant 0 : index
    %get3A_9 = arith.constant 0 : index
    %get3A_10 = arith.constant 0 : index
    %get3A_11 = vector.load %arg3[%get3A_8, %get3A_9, %get3A_10] : memref<1x1x1024xf32, #tpu.memory_space<vmem>>, vector<1x1x1024xf32>
    %get3A_12 = vector.shape_cast %get3A_11 : vector<1x1x1024xf32> to vector<1x1024xf32>
    %get3A_13 = arith.constant 0 : index
    %get3A_14 = arith.constant 0 : index
    %get3A_15 = vector.load %arg6[%get3A_13, %get3A_14] : memref<1024x8xf32, #tpu.memory_space<vmem>>, vector<1024x8xf32>
    %dot_general3A_16 = arith.constant dense<0.000000e+00> : vector<1x8xf32>
    %dot_general3A_17 = tpu.matmul %get3A_12, %get3A_15, %dot_general3A_16 {dimension_numbers = #tpu.dot_dimension_numbers<[1], [0], [0], [1], [0, 0, 1, 1], [], []>, transpose_lhs_hint = false} : vector<1x1024xf32>, vector<1024x8xf32>, vector<1x8xf32> -> vector<1x8xf32>
    %get3A_18 = arith.constant 0 : index
    %get3A_19 = arith.constant 0 : index
    %get3A_20 = vector.load %arg5[%get3A_18, %get3A_19] : memref<1x8xf32, #tpu.memory_space<vmem>>, vector<1x8xf32>
    %add3A = vector.broadcast %get3A_20 : vector<1x8xf32> to vector<512x8xf32>
    %add3A_21 = arith.addf %dot_general3A_7, %add3A : vector<512x8xf32>
    %get3A_22 = arith.constant 0 : index
    %get3A_23 = arith.constant 0 : index
    %get3A_24 = vector.load %arg7[%get3A_22, %get3A_23] : memref<1x8xf32, #tpu.memory_space<vmem>>, vector<1x8xf32>
    %add3A_25 = arith.addf %dot_general3A_17, %get3A_24 : vector<1x8xf32>
    %mul3A = arith.constant 1.000000e-01 : f32
    %mul3A_26 = vector.broadcast %mul3A : f32 to vector<1x8xf32>
    %mul3A_27 = arith.mulf %mul3A_26, %add3A_25 : vector<1x8xf32>
    %add3A_28 = vector.broadcast %mul3A_27 : vector<1x8xf32> to vector<512x8xf32>
    %add3A_29 = arith.addf %add3A_21, %add3A_28 : vector<512x8xf32>
    %iota3A = tpu.iota {dimensions = array<i32: 1>} : vector<512x8xi32>
    %reduce_max3A = arith.constant dense<0xFF800000> : vector<512xf32>
    %reduce_max3A_30 = vector.multi_reduction <maximumf>, %add3A_29, %reduce_max3A [1] : vector<512x8xf32> to vector<512xf32>
    %broadcast_in_dim3A = vector.shape_cast %reduce_max3A_30 : vector<512xf32> to vector<512x1xf32>
    %eq3A = vector.broadcast %broadcast_in_dim3A : vector<512x1xf32> to vector<512x8xf32>
    %eq3A_31 = arith.cmpf oeq, %add3A_29, %eq3A : vector<512x8xf32>
    %jit3A = arith.constant 8 : i32
    %broadcast_in_dim3A_32 = vector.broadcast %jit3A : i32 to vector<512x8xi32>
    %select_n3A = arith.select %eq3A_31, %iota3A, %broadcast_in_dim3A_32 : vector<512x8xi1>, vector<512x8xi32>
    %reduce_min3A = arith.constant dense<2147483647> : vector<512xi32>
    %reduce_min3A_33 = vector.multi_reduction <minsi>, %select_n3A, %reduce_min3A [1] : vector<512x8xi32> to vector<512xi32>
    %broadcast_in_dim3A_34 = vector.shape_cast %reduce_min3A_33 : vector<512xi32> to vector<512x1xi32>
    %eq3A_35 = vector.broadcast %broadcast_in_dim3A_34 : vector<512x1xi32> to vector<512x8xi32>
    %eq3A_36 = arith.cmpi eq, %iota3A, %eq3A_35 : vector<512x8xi32>
    %jit3A_37 = arith.constant -1.000000e+30 : f32
    %broadcast_in_dim3A_38 = vector.broadcast %jit3A_37 : f32 to vector<512x8xf32>
    %select_n3A_39 = arith.select %eq3A_36, %broadcast_in_dim3A_38, %add3A_29 : vector<512x8xi1>, vector<512x8xf32>
    %reduce_max3A_40 = arith.constant dense<0xFF800000> : vector<512xf32>
    %reduce_max3A_41 = vector.multi_reduction <maximumf>, %select_n3A_39, %reduce_max3A_40 [1] : vector<512x8xf32> to vector<512xf32>
    %broadcast_in_dim3A_42 = vector.shape_cast %reduce_max3A_41 : vector<512xf32> to vector<512x1xf32>
    %eq3A_43 = vector.broadcast %broadcast_in_dim3A_42 : vector<512x1xf32> to vector<512x8xf32>
    %eq3A_44 = arith.cmpf oeq, %select_n3A_39, %eq3A_43 : vector<512x8xf32>
    %jit3A_45 = arith.constant 8 : i32
    %broadcast_in_dim3A_46 = vector.broadcast %jit3A_45 : i32 to vector<512x8xi32>
    %select_n3A_47 = arith.select %eq3A_44, %iota3A, %broadcast_in_dim3A_46 : vector<512x8xi1>, vector<512x8xi32>
    %reduce_min3A_48 = arith.constant dense<2147483647> : vector<512xi32>
    %reduce_min3A_49 = vector.multi_reduction <minsi>, %select_n3A_47, %reduce_min3A_48 [1] : vector<512x8xi32> to vector<512xi32>
    %broadcast_in_dim3A_50 = vector.shape_cast %reduce_min3A_49 : vector<512xi32> to vector<512x1xi32>
    %eq3A_51 = vector.broadcast %broadcast_in_dim3A_50 : vector<512x1xi32> to vector<512x8xi32>
    %eq3A_52 = arith.cmpi eq, %iota3A, %eq3A_51 : vector<512x8xi32>
    %sub3A = arith.subf %broadcast_in_dim3A_42, %broadcast_in_dim3A : vector<512x1xf32>
    %exp3A = math.exp %sub3A : vector<512x1xf32>
    %add3A_53 = arith.constant 1.000000e+00 : f32
    %add3A_54 = vector.broadcast %add3A_53 : f32 to vector<512x1xf32>
    %add3A_55 = arith.addf %add3A_54, %exp3A : vector<512x1xf32>
    %div3A = arith.constant 1.000000e+00 : f32
    %div3A_56 = vector.broadcast %div3A : f32 to vector<512x1xf32>
    %div3A_57 = arith.divf %div3A_56, %add3A_55 : vector<512x1xf32>
    %max3A = arith.constant 9.99999997E-7 : f32
    %max3A_58 = vector.broadcast %max3A : f32 to vector<512x1xf32>
    %max3A_59 = arith.maximumf %div3A_57, %max3A_58 : vector<512x1xf32>
    %div3A_60 = arith.divf %exp3A, %add3A_55 : vector<512x1xf32>
    %max3A_61 = arith.constant 9.99999997E-7 : f32
    %max3A_62 = vector.broadcast %max3A_61 : f32 to vector<512x1xf32>
    %max3A_63 = arith.maximumf %div3A_60, %max3A_62 : vector<512x1xf32>
    %add3A_64 = arith.addf %max3A_59, %max3A_63 : vector<512x1xf32>
    %div3A_65 = arith.divf %max3A_59, %add3A_64 : vector<512x1xf32>
    %div3A_66 = arith.divf %max3A_63, %add3A_64 : vector<512x1xf32>
    %convert_element_type3A = arith.extui %eq3A_36 : vector<512x8xi1> to vector<512x8xi32>
    %convert_element_type3A_67 = arith.sitofp %convert_element_type3A : vector<512x8xi32> to vector<512x8xf32>
    %convert_element_type3A_68 = arith.extui %eq3A_52 : vector<512x8xi1> to vector<512x8xi32>
    %convert_element_type3A_69 = arith.sitofp %convert_element_type3A_68 : vector<512x8xi32> to vector<512x8xf32>
    %add3A_70 = arith.addf %convert_element_type3A_67, %convert_element_type3A_69 : vector<512x8xf32>
    %iota3A_71 = tpu.iota {dimensions = array<i32: 0>} : vector<512x512xi32>
    %iota3A_72 = tpu.iota {dimensions = array<i32: 1>} : vector<512x512xi32>
    %gt3A = arith.cmpi sgt, %iota3A_71, %iota3A_72 : vector<512x512xi32>
    %convert_element_type3A_73 = arith.extui %gt3A : vector<512x512xi1> to vector<512x512xi32>
    %convert_element_type3A_74 = arith.sitofp %convert_element_type3A_73 : vector<512x512xi32> to vector<512x512xf32>
    %dot_general3A_75 = arith.constant dense<0.000000e+00> : vector<512x8xf32>
    %dot_general3A_76 = tpu.matmul %convert_element_type3A_74, %add3A_70, %dot_general3A_75 {dimension_numbers = #tpu.dot_dimension_numbers<[1], [0], [0], [1], [0, 0, 1, 1], [], []>, transpose_lhs_hint = false} : vector<512x512xf32>, vector<512x8xf32>, vector<512x8xf32> -> vector<512x8xf32>
    %eq3A_77 = arith.constant 0 : i32
    %eq3A_78 = arith.cmpi eq, %arg1, %eq3A_77 : i32
    %convert_element_type3A_79 = arith.extui %eq3A_78 : i1 to i32
    %cond3A = arith.constant 0 : i32
    %cond3A_80 = arith.cmpi ne, %convert_element_type3A_79, %cond3A : i32
    scf.if %cond3A_80 {
      %broadcast_in_dim3A_175 = arith.constant 0.000000e+00 : f32
      %broadcast_in_dim3A_176 = vector.broadcast %broadcast_in_dim3A_175 : f32 to vector<1x8xf32>
      %swap3A_177 = arith.constant 0 : index
      %swap3A_178 = arith.constant 0 : index
      %swap3A_179 = vector.load %arg14[%swap3A_177, %swap3A_178] : memref<1x8xf32, #tpu.memory_space<vmem>>, vector<1x8xf32>
      tpu.vector_store %arg14[%swap3A_177, %swap3A_178], %broadcast_in_dim3A_176 {strides = array<i32>} : memref<1x8xf32, #tpu.memory_space<vmem>>, vector<1x8xf32>,
    } else {
    }
    %get3A_81 = arith.constant 0 : index
    %get3A_82 = arith.constant 0 : index
    %get3A_83 = vector.load %arg14[%get3A_81, %get3A_82] : memref<1x8xf32, #tpu.memory_space<vmem>>, vector<1x8xf32>
    %add3A_84 = vector.broadcast %get3A_83 : vector<1x8xf32> to vector<512x8xf32>
    %add3A_85 = arith.addf %dot_general3A_76, %add3A_84 : vector<512x8xf32>
    %mul3A_86 = arith.constant 8 : i32
    %mul3A_87 = arith.muli %arg0, %mul3A_86 : i32
    %add3A_88 = vector.broadcast %mul3A_87 : i32 to vector<512x8xi32>
    %add3A_89 = arith.addi %add3A_88, %iota3A : vector<512x8xi32>
    %mul3A_90 = arith.constant 2048 : i32
    %mul3A_91 = vector.broadcast %mul3A_90 : i32 to vector<512x8xi32>
    %mul3A_92 = arith.muli %add3A_89, %mul3A_91 : vector<512x8xi32>
    %convert_element_type3A_93 = arith.sitofp %mul3A_92 : vector<512x8xi32> to vector<512x8xf32>
    %add3A_94 = arith.addf %convert_element_type3A_93, %add3A_85 : vector<512x8xf32>
    %mul3A_95 = arith.mulf %convert_element_type3A_67, %add3A_94 : vector<512x8xf32>
    %reduce_sum3A = arith.constant dense<0.000000e+00> : vector<512xf32>
    %reduce_sum3A_96 = vector.multi_reduction <add>, %mul3A_95, %reduce_sum3A [1] : vector<512x8xf32> to vector<512xf32>
    %broadcast_in_dim3A_97 = vector.shape_cast %reduce_sum3A_96 : vector<512xf32> to vector<512x1xf32>
    %mul3A_98 = arith.mulf %convert_element_type3A_69, %add3A_94 : vector<512x8xf32>
    %reduce_sum3A_99 = arith.constant dense<0.000000e+00> : vector<512xf32>
    %reduce_sum3A_100 = vector.multi_reduction <add>, %mul3A_98, %reduce_sum3A_99 [1] : vector<512x8xf32> to vector<512xf32>
    %broadcast_in_dim3A_101 = vector.shape_cast %reduce_sum3A_100 : vector<512xf32> to vector<512x1xf32>
    %concatenate3A = tpu.concatenate %broadcast_in_dim3A_97, %broadcast_in_dim3A_101 in 1 : vector<512x1xf32>, vector<512x1xf32> -> vector<512x2xf32>
    %transpose3A = tpu.transpose %concatenate3A, [1, 0] : vector<512x2xf32> -> vector<2x512xf32>
    %convert_element_type3A_102 = arith.fptosi %transpose3A : vector<2x512xf32> to vector<2x512xi32>
    %swap3A = arith.constant 0 : index
    %swap3A_103 = arith.constant 0 : index
    %swap3A_104 = arith.constant 0 : index
    %swap3A_105 = vector.load %arg10[%swap3A, %swap3A_103, %swap3A_104] : memref<1x2x512xi32, #tpu.memory_space<vmem>>, vector<1x2x512xi32>
    %swap3A_106 = vector.shape_cast %swap3A_105 : vector<1x2x512xi32> to vector<2x512xi32>
    %swap3A_107 = vector.shape_cast %convert_element_type3A_102 : vector<2x512xi32> to vector<1x2x512xi32>
    tpu.vector_store %arg10[%swap3A, %swap3A_103, %swap3A_104], %swap3A_107 {strides = array<i32>} : memref<1x2x512xi32, #tpu.memory_space<vmem>>, vector<1x2x512xi32>,
    %mul3A_108 = arith.constant 2048 : i32
    %mul3A_109 = arith.muli %arg0, %mul3A_108 : i32
    %mul3A_110 = arith.constant 512 : i32
    %mul3A_111 = arith.muli %arg1, %mul3A_110 : i32
    %add3A_112 = arith.addi %mul3A_109, %mul3A_111 : i32
    %iota3A_113 = tpu.iota {dimensions = array<i32: 1>} : vector<2x512xi32>
    %add3A_114 = vector.broadcast %add3A_112 : i32 to vector<2x512xi32>
    %add3A_115 = arith.addi %add3A_114, %iota3A_113 : vector<2x512xi32>
    %swap3A_116 = arith.constant 0 : index
    %swap3A_117 = arith.constant 0 : index
    %swap3A_118 = arith.constant 0 : index
    %swap3A_119 = vector.load %arg11[%swap3A_116, %swap3A_117, %swap3A_118] : memref<1x2x512xi32, #tpu.memory_space<vmem>>, vector<1x2x512xi32>
    %swap3A_120 = vector.shape_cast %swap3A_119 : vector<1x2x512xi32> to vector<2x512xi32>
    %swap3A_121 = vector.shape_cast %add3A_115 : vector<2x512xi32> to vector<1x2x512xi32>
    tpu.vector_store %arg11[%swap3A_116, %swap3A_117, %swap3A_118], %swap3A_121 {strides = array<i32>} : memref<1x2x512xi32, #tpu.memory_space<vmem>>, vector<1x2x512xi32>,
    %concatenate3A_122 = tpu.concatenate %div3A_65, %div3A_66 in 1 : vector<512x1xf32>, vector<512x1xf32> -> vector<512x2xf32>
    %transpose3A_123 = tpu.transpose %concatenate3A_122, [1, 0] : vector<512x2xf32> -> vector<2x512xf32>
    %broadcast_in_dim3A_124 = vector.shape_cast %transpose3A_123 : vector<2x512xf32> to vector<2x512x1xf32>
    %broadcast_in_dim3A_125 = vector.shape_cast %broadcast_in_dim3A_124 : vector<2x512x1xf32> to vector<2x512x1xf32>
    %broadcast_in_dim3A_126 = vector.broadcast %broadcast_in_dim3A_125 : vector<2x512x1xf32> to vector<2x512x128xf32>
    %swap3A_127 = arith.constant 0 : index
    %swap3A_128 = arith.constant 0 : index
    %swap3A_129 = arith.constant 0 : index
    %swap3A_130 = arith.constant 0 : index
    %swap3A_131 = vector.load %arg12[%swap3A_127, %swap3A_128, %swap3A_129, %swap3A_130] : memref<1x2x512x128xf32, #tpu.memory_space<vmem>>, vector<1x2x512x128xf32>
    %swap3A_132 = vector.shape_cast %swap3A_131 : vector<1x2x512x128xf32> to vector<2x512x128xf32>
    %swap3A_133 = vector.shape_cast %broadcast_in_dim3A_126 : vector<2x512x128xf32> to vector<1x2x512x128xf32>
    tpu.vector_store %arg12[%swap3A_127, %swap3A_128, %swap3A_129, %swap3A_130], %swap3A_133 {strides = array<i32>} : memref<1x2x512x128xf32, #tpu.memory_space<vmem>>, vector<1x2x512x128xf32>,
    %get3A_134 = arith.constant 0 : index
    %get3A_135 = arith.constant 0 : index
    %get3A_136 = vector.load %arg14[%get3A_134, %get3A_135] : memref<1x8xf32, #tpu.memory_space<vmem>>, vector<1x8xf32>
    %reduce_sum3A_137 = arith.constant dense<0.000000e+00> : vector<8xf32>
    %reduce_sum3A_138 = vector.multi_reduction <add>, %add3A_70, %reduce_sum3A_137 [0] : vector<512x8xf32> to vector<8xf32>
    %broadcast_in_dim3A_139 = vector.shape_cast %reduce_sum3A_138 : vector<8xf32> to vector<1x8xf32>
    %add3A_140 = arith.addf %get3A_136, %broadcast_in_dim3A_139 : vector<1x8xf32>
    %swap3A_141 = arith.constant 0 : index
    %swap3A_142 = arith.constant 0 : index
    %swap3A_143 = vector.load %arg14[%swap3A_141, %swap3A_142] : memref<1x8xf32, #tpu.memory_space<vmem>>, vector<1x8xf32>
    tpu.vector_store %arg14[%swap3A_141, %swap3A_142], %add3A_140 {strides = array<i32>} : memref<1x8xf32, #tpu.memory_space<vmem>>, vector<1x8xf32>,
    %swap3A_144 = arith.constant 0 : index
    %swap3A_145 = arith.constant 0 : index
    %swap3A_146 = arith.constant 0 : index
    %swap3A_147 = vector.load %arg13[%swap3A_144, %swap3A_145, %swap3A_146] : memref<1x1x8xf32, #tpu.memory_space<vmem>>, vector<1x1x8xf32>
    %swap3A_148 = vector.shape_cast %swap3A_147 : vector<1x1x8xf32> to vector<1x8xf32>
    %swap3A_149 = vector.shape_cast %add3A_140 : vector<1x8xf32> to vector<1x1x8xf32>
    tpu.vector_store %arg13[%swap3A_144, %swap3A_145, %swap3A_146], %swap3A_149 {strides = array<i32>} : memref<1x1x8xf32, #tpu.memory_space<vmem>>, vector<1x1x8xf32>,
    %eq3A_150 = arith.constant 0 : i32
    %eq3A_151 = arith.cmpi eq, %arg0, %eq3A_150 : i32
    %eq3A_152 = arith.constant 0 : i32
    %eq3A_153 = arith.cmpi eq, %arg1, %eq3A_152 : i32
    %and3A = arith.andi %eq3A_151, %eq3A_153 : i1
    %convert_element_type3A_154 = arith.extui %and3A : i1 to i32
    %cond3A_155 = arith.constant 0 : i32
    %cond3A_156 = arith.cmpi ne, %convert_element_type3A_154, %cond3A_155 : i32
    scf.if %cond3A_156 {
      %broadcast_in_dim3A_175 = arith.constant 0.000000e+00 : f32
      %broadcast_in_dim3A_176 = vector.broadcast %broadcast_in_dim3A_175 : f32 to vector<1x8xf32>
      %swap3A_177 = arith.constant 0 : index
      %swap3A_178 = arith.constant 0 : index
      %swap3A_179 = vector.load %arg9[%swap3A_177, %swap3A_178] : memref<1x8xf32, #tpu.memory_space<vmem>>, vector<1x8xf32>
      tpu.vector_store %arg9[%swap3A_177, %swap3A_178], %broadcast_in_dim3A_176 {strides = array<i32>} : memref<1x8xf32, #tpu.memory_space<vmem>>, vector<1x8xf32>,
    } else {
    }
    %get3A_157 = arith.constant 0 : index
    %get3A_158 = arith.constant 0 : index
    %get3A_159 = vector.load %arg9[%get3A_157, %get3A_158] : memref<1x8xf32, #tpu.memory_space<vmem>>, vector<1x8xf32>
    %reduce_sum3A_160 = arith.constant dense<0.000000e+00> : vector<8xf32>
    %reduce_sum3A_161 = vector.multi_reduction <add>, %add3A_70, %reduce_sum3A_160 [0] : vector<512x8xf32> to vector<8xf32>
    %broadcast_in_dim3A_162 = vector.shape_cast %reduce_sum3A_161 : vector<8xf32> to vector<1x8xf32>
    %add3A_163 = arith.addf %get3A_159, %broadcast_in_dim3A_162 : vector<1x8xf32>
    %swap3A_164 = arith.constant 0 : index
    %swap3A_165 = arith.constant 0 : index
    %swap3A_166 = vector.load %arg9[%swap3A_164, %swap3A_165] : memref<1x8xf32, #tpu.memory_space<vmem>>, vector<1x8xf32>
    tpu.vector_store %arg9[%swap3A_164, %swap3A_165], %add3A_163 {strides = array<i32>} : memref<1x8xf32, #tpu.memory_space<vmem>>, vector<1x8xf32>,
    %eq3A_167 = arith.constant 1 : i32
    %eq3A_168 = arith.cmpi eq, %arg0, %eq3A_167 : i32
    %eq3A_169 = arith.constant 3 : i32
    %eq3A_170 = arith.cmpi eq, %arg1, %eq3A_169 : i32
    %and3A_171 = arith.andi %eq3A_168, %eq3A_170 : i1
    %convert_element_type3A_172 = arith.extui %and3A_171 : i1 to i32
    %cond3A_173 = arith.constant 0 : i32
    %cond3A_174 = arith.cmpi ne, %convert_element_type3A_172, %cond3A_173 : i32
    scf.if %cond3A_174 {
      %get3A_175 = arith.constant 0 : index
      %get3A_176 = arith.constant 0 : index
      %get3A_177 = vector.load %arg9[%get3A_175, %get3A_176] : memref<1x8xf32, #tpu.memory_space<vmem>>, vector<1x8xf32>
      %mul3A_178 = arith.constant 2.44140625E-4 : f32
      %mul3A_179 = vector.broadcast %mul3A_178 : f32 to vector<1x8xf32>
      %mul3A_180 = arith.mulf %get3A_177, %mul3A_179 : vector<1x8xf32>
      %reduce_sum3A_181 = vector.shape_cast %mul3A_180 : vector<1x8xf32> to vector<1x1x8xf32>
      %reduce_sum3A_182 = arith.constant dense<0.000000e+00> : vector<1xf32>
      %reduce_sum3A_183 = vector.multi_reduction <add>, %reduce_sum3A_181, %reduce_sum3A_182 [1, 2] : vector<1x1x8xf32> to vector<1xf32>
      %reduce_sum3A_184 = vector.shape_cast %reduce_sum3A_183 : vector<1xf32> to vector<1x1x1xf32>
      %reduce_sum3A_185 = vector.extract %reduce_sum3A_184[0, 0, 0] : f32 from vector<1x1x1xf32>
      %div3A_186 = arith.constant 8.000000e+00 : f32
      %div3A_187 = arith.divf %reduce_sum3A_185, %div3A_186 : f32
      %sub3A_188 = vector.broadcast %div3A_187 : f32 to vector<1x8xf32>
      %sub3A_189 = arith.subf %mul3A_180, %sub3A_188 : vector<1x8xf32>
      %integer_pow3A = arith.mulf %sub3A_189, %sub3A_189 : vector<1x8xf32>
      %reduce_sum3A_190 = vector.shape_cast %integer_pow3A : vector<1x8xf32> to vector<1x1x8xf32>
      %reduce_sum3A_191 = arith.constant dense<0.000000e+00> : vector<1xf32>
      %reduce_sum3A_192 = vector.multi_reduction <add>, %reduce_sum3A_190, %reduce_sum3A_191 [1, 2] : vector<1x1x8xf32> to vector<1xf32>
      %reduce_sum3A_193 = vector.shape_cast %reduce_sum3A_192 : vector<1xf32> to vector<1x1x1xf32>
      %reduce_sum3A_194 = vector.extract %reduce_sum3A_193[0, 0, 0] : f32 from vector<1x1x1xf32>
      %div3A_195 = arith.constant 8.000000e+00 : f32
      %div3A_196 = arith.divf %reduce_sum3A_194, %div3A_195 : f32
      %mul3A_197 = arith.constant 0.00999999977 : f32
      %mul3A_198 = arith.mulf %mul3A_197, %div3A_196 : f32
      %add3A_199 = arith.constant 9.99999997E-7 : f32
      %add3A_200 = arith.addf %div3A_187, %add3A_199 : f32
      %integer_pow3A_201 = arith.mulf %add3A_200, %add3A_200 : f32
      %div3A_202 = arith.divf %mul3A_198, %integer_pow3A_201 : f32
      %reshape3A = vector.broadcast %div3A_202 : f32 to vector<1x1xf32>
      %swap3A_203 = arith.constant 0 : index
      %swap3A_204 = arith.constant 0 : index
      %swap3A_205 = vector.load %arg8[%swap3A_203, %swap3A_204] : memref<1x1xf32, #tpu.memory_space<vmem>>, vector<1x1xf32>
      tpu.vector_store %arg8[%swap3A_203, %swap3A_204], %reshape3A {strides = array<i32>} : memref<1x1xf32, #tpu.memory_space<vmem>>, vector<1x1xf32>,
    } else {
    }
    return
  }
  func.func @transform_0(%arg0: i32, %arg1: i32) -> (i32, i32, i32) {
    %c0_i32 = arith.constant 0 : i32
    %c0_i32_0 = arith.constant 0 : i32
    return %arg0, %arg1, %c0_i32 : i32, i32, i32
  }
  func.func @transform_1(%arg0: i32, %arg1: i32) -> (i32, i32, i32) {
    %c0_i32 = arith.constant 0 : i32
    %c0_i32_0 = arith.constant 0 : i32
    %c0_i32_1 = arith.constant 0 : i32
    return %arg0, %c0_i32, %c0_i32_0 : i32, i32, i32
  }
  func.func @transform_2(%arg0: i32, %arg1: i32) -> (i32, i32) {
    %c0_i32 = arith.constant 0 : i32
    %c0_i32_0 = arith.constant 0 : i32
    %c0_i32_1 = arith.constant 0 : i32
    return %c0_i32, %c0_i32_0 : i32, i32
  }
  func.func @transform_3(%arg0: i32, %arg1: i32) -> (i32, i32) {
    %c0_i32 = arith.constant 0 : i32
    %c0_i32_0 = arith.constant 0 : i32
    %c0_i32_1 = arith.constant 0 : i32
    return %c0_i32, %c0_i32_0 : i32, i32
  }
  func.func @transform_4(%arg0: i32, %arg1: i32) -> (i32, i32) {
    %c0_i32 = arith.constant 0 : i32
    %c0_i32_0 = arith.constant 0 : i32
    %c0_i32_1 = arith.constant 0 : i32
    return %c0_i32, %c0_i32_0 : i32, i32
  }
  func.func @transform_5(%arg0: i32, %arg1: i32) -> (i32, i32) {
    %c0_i32 = arith.constant 0 : i32
    %c0_i32_0 = arith.constant 0 : i32
    %c0_i32_1 = arith.constant 0 : i32
    return %c0_i32, %c0_i32_0 : i32, i32
  }
  func.func @transform_6(%arg0: i32, %arg1: i32) -> (i32, i32) {
    %c0_i32 = arith.constant 0 : i32
    %c0_i32_0 = arith.constant 0 : i32
    %c0_i32_1 = arith.constant 0 : i32
    return %c0_i32, %c0_i32_0 : i32, i32
  }
  func.func @transform_7(%arg0: i32, %arg1: i32) -> (i32, i32) {
    %c0_i32 = arith.constant 0 : i32
    %c0_i32_0 = arith.constant 0 : i32
    %c0_i32_1 = arith.constant 0 : i32
    return %c0_i32, %c0_i32_0 : i32, i32
  }
  func.func @transform_8(%arg0: i32, %arg1: i32) -> (i32, i32, i32) {
    %c0_i32 = arith.constant 0 : i32
    %c0_i32_0 = arith.constant 0 : i32
    return %arg0, %c0_i32, %arg1 : i32, i32, i32
  }
  func.func @transform_9(%arg0: i32, %arg1: i32) -> (i32, i32, i32) {
    %c0_i32 = arith.constant 0 : i32
    %c0_i32_0 = arith.constant 0 : i32
    return %arg0, %c0_i32, %arg1 : i32, i32, i32
  }
  func.func @transform_10(%arg0: i32, %arg1: i32) -> (i32, i32, i32, i32) {
    %c0_i32 = arith.constant 0 : i32
    %c0_i32_0 = arith.constant 0 : i32
    %c0_i32_1 = arith.constant 0 : i32
    return %arg0, %c0_i32, %arg1, %c0_i32_0 : i32, i32, i32, i32
  }
  func.func @transform_11(%arg0: i32, %arg1: i32) -> (i32, i32, i32) {
    %c0_i32 = arith.constant 0 : i32
    %c0_i32_0 = arith.constant 0 : i32
    %c0_i32_1 = arith.constant 0 : i32
    return %arg0, %c0_i32, %c0_i32_0 : i32, i32, i32
  }
}

module attributes {stable_mosaic.version = 14 : i64} {
  func.func @_expert_kernel(%arg0: i32, %arg1: i32, %arg2: i32, %arg3: memref<16xi32, #tpu.memory_space<smem>>, %arg4: memref<1x512x128xf32, #tpu.memory_space<vmem>>, %arg5: memref<1x512x1024xf32, #tpu.memory_space<vmem>>, %arg6: memref<1x1024x1024xf32, #tpu.memory_space<vmem>>, %arg7: memref<1x1x1024xf32, #tpu.memory_space<vmem>>, %arg8: memref<1x1024x1024xf32, #tpu.memory_space<vmem>>, %arg9: memref<1x1x1024xf32, #tpu.memory_space<vmem>>, %arg10: memref<1x1x1024xf32, #tpu.memory_space<vmem>>, %arg11: memref<8x1024xf32, #tpu.memory_space<vmem>>, %arg12: memref<1x1xf32, #tpu.memory_space<smem>>, %arg13: memref<1024x1024xbf16, #tpu.memory_space<vmem>>) attributes {dimension_semantics = [#tpu.dimension_semantics<arbitrary>, #tpu.dimension_semantics<arbitrary>, #tpu.dimension_semantics<arbitrary>], iteration_bounds = array<i64: 8, 2, 4>, scalar_prefetch = 1 : i64, scratch_operands = 3 : i64, tpu.core_type = #tpu.core_type<tc>, window_params = [{transform_indices = @transform_0, window_bounds = array<i64: 1, 512, 128>}, {transform_indices = @transform_1, window_bounds = array<i64: 1, 512, 1024>}, {transform_indices = @transform_2, window_bounds = array<i64: 1, 1024, 1024>}, {transform_indices = @transform_3, window_bounds = array<i64: 1, 1, 1024>}, {transform_indices = @transform_4, window_bounds = array<i64: 1, 1024, 1024>}, {transform_indices = @transform_5, window_bounds = array<i64: 1, 1, 1024>}, {transform_indices = @transform_6, window_bounds = array<i64: 1, 1, 1024>}]} {
    %mul3A = arith.constant 8 : i32
    %mul3A_0 = arith.muli %arg1, %mul3A : i32
    %add3A = arith.addi %mul3A_0, %arg0 : i32
    %get3A = arith.index_cast %add3A : i32 to index
    %get3A_1 = memref.load %arg3[%get3A] : memref<16xi32, #tpu.memory_space<smem>>
    %eq3A = arith.constant 0 : i32
    %eq3A_2 = arith.cmpi eq, %arg1, %eq3A : i32
    %eq3A_3 = arith.constant 0 : i32
    %eq3A_4 = arith.cmpi eq, %arg2, %eq3A_3 : i32
    %and3A = arith.andi %eq3A_2, %eq3A_4 : i1
    %convert_element_type3A = arith.extui %and3A : i1 to i32
    %cond3A = arith.constant 0 : i32
    %cond3A_5 = arith.cmpi ne, %convert_element_type3A, %cond3A : i32
    scf.if %cond3A_5 {
      %get3A_21 = arith.constant 0 : index
      %get3A_22 = arith.constant 0 : index
      %get3A_23 = arith.constant 0 : index
      %get3A_24 = vector.load %arg6[%get3A_21, %get3A_22, %get3A_23] : memref<1x1024x1024xf32, #tpu.memory_space<vmem>>, vector<1x1024x1024xf32>
      %get3A_25 = vector.shape_cast %get3A_24 : vector<1x1024x1024xf32> to vector<1024x1024xf32>
      %convert_element_type3A_26 = arith.truncf %get3A_25 : vector<1024x1024xf32> to vector<1024x1024xbf16>
      %swap3A = arith.constant 0 : index
      %swap3A_27 = arith.constant 0 : index
      %swap3A_28 = vector.load %arg13[%swap3A, %swap3A_27] : memref<1024x1024xbf16, #tpu.memory_space<vmem>>, vector<1024x1024xbf16>
      tpu.vector_store %arg13[%swap3A, %swap3A_27], %convert_element_type3A_26 {strides = array<i32>} : memref<1024x1024xbf16, #tpu.memory_space<vmem>>, vector<1024x1024xbf16>,
    } else {
    }
    %eq3A_6 = arith.constant 0 : i32
    %eq3A_7 = arith.cmpi eq, %arg2, %eq3A_6 : i32
    %convert_element_type3A_8 = arith.extui %eq3A_7 : i1 to i32
    %cond3A_9 = arith.constant 0 : i32
    %cond3A_10 = arith.cmpi ne, %convert_element_type3A_8, %cond3A_9 : i32
    scf.if %cond3A_10 {
      %broadcast_in_dim3A = arith.constant 0.000000e+00 : f32
      %broadcast_in_dim3A_21 = vector.broadcast %broadcast_in_dim3A : f32 to vector<8x1024xf32>
      %swap3A = arith.constant 0 : index
      %swap3A_22 = arith.constant 0 : index
      %swap3A_23 = vector.load %arg11[%swap3A, %swap3A_22] : memref<8x1024xf32, #tpu.memory_space<vmem>>, vector<8x1024xf32>
      tpu.vector_store %arg11[%swap3A, %swap3A_22], %broadcast_in_dim3A_21 {strides = array<i32>} : memref<8x1024xf32, #tpu.memory_space<vmem>>, vector<8x1024xf32>,
      %swap3A_24 = arith.constant 0.000000e+00 : f32
      %swap3A_25 = arith.constant 0 : index
      %swap3A_26 = arith.constant 0 : index
      %swap3A_27 = memref.load %arg12[%swap3A_25, %swap3A_26] : memref<1x1xf32, #tpu.memory_space<smem>>
      memref.store %swap3A_24, %arg12[%swap3A_25, %swap3A_26] : memref<1x1xf32, #tpu.memory_space<smem>>
    } else {
    }
    %mul3A_11 = arith.constant 512 : i32
    %mul3A_12 = arith.muli %arg2, %mul3A_11 : i32
    %lt3A = arith.cmpi slt, %mul3A_12, %get3A_1 : i32
    %convert_element_type3A_13 = arith.extui %lt3A : i1 to i32
    %cond3A_14 = arith.constant 0 : i32
    %cond3A_15 = arith.cmpi ne, %convert_element_type3A_13, %cond3A_14 : i32
    scf.if %cond3A_15 {
      %get3A_21 = arith.constant 0 : index
      %get3A_22 = arith.constant 0 : index
      %get3A_23 = arith.constant 0 : index
      %get3A_24 = vector.load %arg5[%get3A_21, %get3A_22, %get3A_23] : memref<1x512x1024xf32, #tpu.memory_space<vmem>>, vector<1x512x1024xf32>
      %get3A_25 = vector.shape_cast %get3A_24 : vector<1x512x1024xf32> to vector<512x1024xf32>
      %convert_element_type3A_26 = arith.truncf %get3A_25 : vector<512x1024xf32> to vector<512x1024xbf16>
      %get3A_27 = arith.constant 0 : index
      %get3A_28 = arith.constant 0 : index
      %get3A_29 = vector.load %arg13[%get3A_27, %get3A_28] : memref<1024x1024xbf16, #tpu.memory_space<vmem>>, vector<1024x1024xbf16>
      %dot_general3A = arith.constant dense<0.000000e+00> : vector<512x1024xf32>
      %dot_general3A_30 = tpu.matmul %convert_element_type3A_26, %get3A_29, %dot_general3A {dimension_numbers = #tpu.dot_dimension_numbers<[1], [0], [0], [1], [0, 0, 1, 1], [], []>, transpose_lhs_hint = false} : vector<512x1024xbf16>, vector<1024x1024xbf16>, vector<512x1024xf32> -> vector<512x1024xf32>
      %get3A_31 = arith.constant 0 : index
      %get3A_32 = arith.constant 0 : index
      %get3A_33 = arith.constant 0 : index
      %get3A_34 = vector.load %arg7[%get3A_31, %get3A_32, %get3A_33] : memref<1x1x1024xf32, #tpu.memory_space<vmem>>, vector<1x1x1024xf32>
      %get3A_35 = vector.shape_cast %get3A_34 : vector<1x1x1024xf32> to vector<1x1024xf32>
      %add3A_36 = vector.broadcast %get3A_35 : vector<1x1024xf32> to vector<512x1024xf32>
      %add3A_37 = arith.addf %dot_general3A_30, %add3A_36 : vector<512x1024xf32>
      %max3A = arith.constant 0.000000e+00 : f32
      %max3A_38 = vector.broadcast %max3A : f32 to vector<512x1024xf32>
      %max3A_39 = arith.maximumf %add3A_37, %max3A_38 : vector<512x1024xf32>
      %get3A_40 = arith.constant 0 : index
      %get3A_41 = arith.constant 0 : index
      %get3A_42 = arith.constant 0 : index
      %get3A_43 = vector.load %arg4[%get3A_40, %get3A_41, %get3A_42] : memref<1x512x128xf32, #tpu.memory_space<vmem>>, vector<1x512x128xf32>
      %get3A_44 = vector.shape_cast %get3A_43 : vector<1x512x128xf32> to vector<512x128xf32>
      %slice3A = vector.extract_strided_slice %get3A_44 {offsets = [0, 0], sizes = [512, 1], strides = [1, 1]} : vector<512x128xf32> to vector<512x1xf32>
      %iota3A = tpu.iota {dimensions = array<i32: 0>} : vector<512x1xi32>
      %mul3A_45 = arith.constant 512 : i32
      %mul3A_46 = arith.muli %arg2, %mul3A_45 : i32
      %add3A_47 = vector.broadcast %mul3A_46 : i32 to vector<512x1xi32>
      %add3A_48 = arith.addi %add3A_47, %iota3A : vector<512x1xi32>
      %lt3A_49 = vector.broadcast %get3A_1 : i32 to vector<512x1xi32>
      %lt3A_50 = arith.cmpi slt, %add3A_48, %lt3A_49 : vector<512x1xi32>
      %mul3A_51 = vector.broadcast %slice3A : vector<512x1xf32> to vector<512x1024xf32>
      %mul3A_52 = arith.mulf %max3A_39, %mul3A_51 : vector<512x1024xf32>
      %jit3A = arith.constant 0.000000e+00 : f32
      %broadcast_in_dim3A = vector.shape_cast %lt3A_50 : vector<512x1xi1> to vector<512x1xi1>
      %broadcast_in_dim3A_53 = vector.broadcast %broadcast_in_dim3A : vector<512x1xi1> to vector<512x1024xi1>
      %broadcast_in_dim3A_54 = vector.broadcast %jit3A : f32 to vector<512x1024xf32>
      %select_n3A = arith.select %broadcast_in_dim3A_53, %mul3A_52, %broadcast_in_dim3A_54 : vector<512x1024xi1>, vector<512x1024xf32>
      %get3A_55 = arith.constant 0 : index
      %get3A_56 = arith.constant 0 : index
      %get3A_57 = vector.load %arg11[%get3A_55, %get3A_56] : memref<8x1024xf32, #tpu.memory_space<vmem>>, vector<8x1024xf32>
      %reshape3A = vector.shape_cast %select_n3A : vector<512x1024xf32> to vector<64x8x1024xf32>
      %reduce_sum3A = arith.constant dense<0.000000e+00> : vector<8x1024xf32>
      %reduce_sum3A_58 = vector.multi_reduction <add>, %reshape3A, %reduce_sum3A [0] : vector<64x8x1024xf32> to vector<8x1024xf32>
      %add3A_59 = arith.addf %get3A_57, %reduce_sum3A_58 : vector<8x1024xf32>
      %swap3A = arith.constant 0 : index
      %swap3A_60 = arith.constant 0 : index
      %swap3A_61 = vector.load %arg11[%swap3A, %swap3A_60] : memref<8x1024xf32, #tpu.memory_space<vmem>>, vector<8x1024xf32>
      tpu.vector_store %arg11[%swap3A, %swap3A_60], %add3A_59 {strides = array<i32>} : memref<8x1024xf32, #tpu.memory_space<vmem>>, vector<8x1024xf32>,
      %get3A_62 = arith.constant 0 : index
      %get3A_63 = arith.constant 0 : index
      %get3A_64 = memref.load %arg12[%get3A_62, %get3A_63] : memref<1x1xf32, #tpu.memory_space<smem>>
      %jit3A_65 = arith.constant 0.000000e+00 : f32
      %broadcast_in_dim3A_66 = vector.broadcast %jit3A_65 : f32 to vector<512x1xf32>
      %select_n3A_67 = arith.select %lt3A_50, %slice3A, %broadcast_in_dim3A_66 : vector<512x1xi1>, vector<512x1xf32>
      %reduce_sum3A_68 = vector.shape_cast %select_n3A_67 : vector<512x1xf32> to vector<1x512x1xf32>
      %reduce_sum3A_69 = arith.constant dense<0.000000e+00> : vector<1xf32>
      %reduce_sum3A_70 = vector.multi_reduction <add>, %reduce_sum3A_68, %reduce_sum3A_69 [1, 2] : vector<1x512x1xf32> to vector<1xf32>
      %reduce_sum3A_71 = vector.shape_cast %reduce_sum3A_70 : vector<1xf32> to vector<1x1x1xf32>
      %reduce_sum3A_72 = vector.extract %reduce_sum3A_71[0, 0, 0] : f32 from vector<1x1x1xf32>
      %add3A_73 = arith.addf %get3A_64, %reduce_sum3A_72 : f32
      %swap3A_74 = arith.constant 0 : index
      %swap3A_75 = arith.constant 0 : index
      %swap3A_76 = memref.load %arg12[%swap3A_74, %swap3A_75] : memref<1x1xf32, #tpu.memory_space<smem>>
      memref.store %add3A_73, %arg12[%swap3A_74, %swap3A_75] : memref<1x1xf32, #tpu.memory_space<smem>>
    } else {
    }
    %eq3A_16 = arith.constant 3 : i32
    %eq3A_17 = arith.cmpi eq, %arg2, %eq3A_16 : i32
    %convert_element_type3A_18 = arith.extui %eq3A_17 : i1 to i32
    %cond3A_19 = arith.constant 0 : i32
    %cond3A_20 = arith.cmpi ne, %convert_element_type3A_18, %cond3A_19 : i32
    scf.if %cond3A_20 {
      %get3A_21 = arith.constant 0 : index
      %get3A_22 = arith.constant 0 : index
      %get3A_23 = memref.load %arg12[%get3A_21, %get3A_22] : memref<1x1xf32, #tpu.memory_space<smem>>
      %get3A_24 = arith.constant 0 : index
      %get3A_25 = arith.constant 0 : index
      %get3A_26 = vector.load %arg11[%get3A_24, %get3A_25] : memref<8x1024xf32, #tpu.memory_space<vmem>>, vector<8x1024xf32>
      %reduce_sum3A = arith.constant dense<0.000000e+00> : vector<1024xf32>
      %reduce_sum3A_27 = vector.multi_reduction <add>, %get3A_26, %reduce_sum3A [0] : vector<8x1024xf32> to vector<1024xf32>
      %broadcast_in_dim3A = vector.shape_cast %reduce_sum3A_27 : vector<1024xf32> to vector<1x1024xf32>
      %get3A_28 = arith.constant 0 : index
      %get3A_29 = arith.constant 0 : index
      %get3A_30 = arith.constant 0 : index
      %get3A_31 = vector.load %arg8[%get3A_28, %get3A_29, %get3A_30] : memref<1x1024x1024xf32, #tpu.memory_space<vmem>>, vector<1x1024x1024xf32>
      %get3A_32 = vector.shape_cast %get3A_31 : vector<1x1024x1024xf32> to vector<1024x1024xf32>
      %dot_general3A = arith.constant dense<0.000000e+00> : vector<1x1024xf32>
      %dot_general3A_33 = tpu.matmul %broadcast_in_dim3A, %get3A_32, %dot_general3A {dimension_numbers = #tpu.dot_dimension_numbers<[1], [0], [0], [1], [0, 0, 1, 1], [], []>, transpose_lhs_hint = false} : vector<1x1024xf32>, vector<1024x1024xf32>, vector<1x1024xf32> -> vector<1x1024xf32>
      %get3A_34 = arith.constant 0 : index
      %get3A_35 = arith.constant 0 : index
      %get3A_36 = arith.constant 0 : index
      %get3A_37 = vector.load %arg9[%get3A_34, %get3A_35, %get3A_36] : memref<1x1x1024xf32, #tpu.memory_space<vmem>>, vector<1x1x1024xf32>
      %get3A_38 = vector.shape_cast %get3A_37 : vector<1x1x1024xf32> to vector<1x1024xf32>
      %mul3A_39 = vector.broadcast %get3A_23 : f32 to vector<1x1024xf32>
      %mul3A_40 = arith.mulf %mul3A_39, %get3A_38 : vector<1x1024xf32>
      %add3A_41 = arith.addf %dot_general3A_33, %mul3A_40 : vector<1x1024xf32>
      %add3A_42 = arith.constant 9.99999997E-7 : f32
      %add3A_43 = arith.addf %get3A_23, %add3A_42 : f32
      %div3A = vector.broadcast %add3A_43 : f32 to vector<1x1024xf32>
      %div3A_44 = arith.divf %add3A_41, %div3A : vector<1x1024xf32>
      %swap3A = arith.constant 0 : index
      %swap3A_45 = arith.constant 0 : index
      %swap3A_46 = arith.constant 0 : index
      %swap3A_47 = vector.load %arg10[%swap3A, %swap3A_45, %swap3A_46] : memref<1x1x1024xf32, #tpu.memory_space<vmem>>, vector<1x1x1024xf32>
      %swap3A_48 = vector.shape_cast %swap3A_47 : vector<1x1x1024xf32> to vector<1x1024xf32>
      %swap3A_49 = vector.shape_cast %div3A_44 : vector<1x1024xf32> to vector<1x1x1024xf32>
      tpu.vector_store %arg10[%swap3A, %swap3A_45, %swap3A_46], %swap3A_49 {strides = array<i32>} : memref<1x1x1024xf32, #tpu.memory_space<vmem>>, vector<1x1x1024xf32>,
    } else {
    }
    return
  }
  func.func @transform_0(%arg0: i32, %arg1: i32, %arg2: i32, %arg3: memref<16xi32, #tpu.memory_space<smem>>) -> (i32, i32, i32) {
    %mul3A = arith.constant 8 : i32
    %mul3A_0 = arith.muli %arg1, %mul3A : i32
    %add3A = arith.addi %mul3A_0, %arg0 : i32
    %mul3A_1 = arith.constant 8 : i32
    %mul3A_2 = arith.muli %arg1, %mul3A_1 : i32
    %add3A_3 = arith.addi %mul3A_2, %arg0 : i32
    %get3A = arith.index_cast %add3A_3 : i32 to index
    %get3A_4 = memref.load %arg3[%get3A] : memref<16xi32, #tpu.memory_space<smem>>
    %add3A_5 = arith.constant 512 : i32
    %add3A_6 = arith.addi %get3A_4, %add3A_5 : i32
    %sub3A = arith.constant 1 : i32
    %sub3A_7 = arith.subi %add3A_6, %sub3A : i32
    %jit3A = arith.constant 512 : i32
    %div3A = arith.divsi %sub3A_7, %jit3A : i32
    %sign3A = arith.constant 0 : i32
    %sign3A_8 = arith.cmpi sgt, %sub3A_7, %sign3A : i32
    %sign3A_9 = arith.extui %sign3A_8 : i1 to i32
    %sign3A_10 = arith.constant 0 : i32
    %sign3A_11 = arith.cmpi slt, %sub3A_7, %sign3A_10 : i32
    %sign3A_12 = arith.extui %sign3A_11 : i1 to i32
    %sign3A_13 = arith.subi %sign3A_9, %sign3A_12 : i32
    %sign3A_14 = arith.constant 0 : i32
    %sign3A_15 = arith.cmpi sgt, %jit3A, %sign3A_14 : i32
    %sign3A_16 = arith.extui %sign3A_15 : i1 to i32
    %sign3A_17 = arith.constant 0 : i32
    %sign3A_18 = arith.cmpi slt, %jit3A, %sign3A_17 : i32
    %sign3A_19 = arith.extui %sign3A_18 : i1 to i32
    %sign3A_20 = arith.subi %sign3A_16, %sign3A_19 : i32
    %ne3A = arith.cmpi ne, %sign3A_13, %sign3A_20 : i32
    %rem3A = arith.remsi %sub3A_7, %jit3A : i32
    %ne3A_21 = arith.constant 0 : i32
    %ne3A_22 = arith.cmpi ne, %rem3A, %ne3A_21 : i32
    %and3A = arith.andi %ne3A, %ne3A_22 : i1
    %sub3A_23 = arith.constant 1 : i32
    %sub3A_24 = arith.subi %div3A, %sub3A_23 : i32
    %select_n3A = arith.select %and3A, %sub3A_24, %div3A : i32
    %sub3A_25 = arith.constant 1 : i32
    %sub3A_26 = arith.subi %select_n3A, %sub3A_25 : i32
    %max3A = arith.constant 0 : i32
    %max3A_27 = arith.maxsi %sub3A_26, %max3A : i32
    %min3A = arith.minsi %arg2, %max3A_27 : i32
    %c0_i32 = arith.constant 0 : i32
    %c0_i32_28 = arith.constant 0 : i32
    return %add3A, %min3A, %c0_i32 : i32, i32, i32
  }
  func.func @transform_1(%arg0: i32, %arg1: i32, %arg2: i32, %arg3: memref<16xi32, #tpu.memory_space<smem>>) -> (i32, i32, i32) {
    %mul3A = arith.constant 8 : i32
    %mul3A_0 = arith.muli %arg1, %mul3A : i32
    %add3A = arith.addi %mul3A_0, %arg0 : i32
    %mul3A_1 = arith.constant 8 : i32
    %mul3A_2 = arith.muli %arg1, %mul3A_1 : i32
    %add3A_3 = arith.addi %mul3A_2, %arg0 : i32
    %get3A = arith.index_cast %add3A_3 : i32 to index
    %get3A_4 = memref.load %arg3[%get3A] : memref<16xi32, #tpu.memory_space<smem>>
    %add3A_5 = arith.constant 512 : i32
    %add3A_6 = arith.addi %get3A_4, %add3A_5 : i32
    %sub3A = arith.constant 1 : i32
    %sub3A_7 = arith.subi %add3A_6, %sub3A : i32
    %jit3A = arith.constant 512 : i32
    %div3A = arith.divsi %sub3A_7, %jit3A : i32
    %sign3A = arith.constant 0 : i32
    %sign3A_8 = arith.cmpi sgt, %sub3A_7, %sign3A : i32
    %sign3A_9 = arith.extui %sign3A_8 : i1 to i32
    %sign3A_10 = arith.constant 0 : i32
    %sign3A_11 = arith.cmpi slt, %sub3A_7, %sign3A_10 : i32
    %sign3A_12 = arith.extui %sign3A_11 : i1 to i32
    %sign3A_13 = arith.subi %sign3A_9, %sign3A_12 : i32
    %sign3A_14 = arith.constant 0 : i32
    %sign3A_15 = arith.cmpi sgt, %jit3A, %sign3A_14 : i32
    %sign3A_16 = arith.extui %sign3A_15 : i1 to i32
    %sign3A_17 = arith.constant 0 : i32
    %sign3A_18 = arith.cmpi slt, %jit3A, %sign3A_17 : i32
    %sign3A_19 = arith.extui %sign3A_18 : i1 to i32
    %sign3A_20 = arith.subi %sign3A_16, %sign3A_19 : i32
    %ne3A = arith.cmpi ne, %sign3A_13, %sign3A_20 : i32
    %rem3A = arith.remsi %sub3A_7, %jit3A : i32
    %ne3A_21 = arith.constant 0 : i32
    %ne3A_22 = arith.cmpi ne, %rem3A, %ne3A_21 : i32
    %and3A = arith.andi %ne3A, %ne3A_22 : i1
    %sub3A_23 = arith.constant 1 : i32
    %sub3A_24 = arith.subi %div3A, %sub3A_23 : i32
    %select_n3A = arith.select %and3A, %sub3A_24, %div3A : i32
    %sub3A_25 = arith.constant 1 : i32
    %sub3A_26 = arith.subi %select_n3A, %sub3A_25 : i32
    %max3A = arith.constant 0 : i32
    %max3A_27 = arith.maxsi %sub3A_26, %max3A : i32
    %min3A = arith.minsi %arg2, %max3A_27 : i32
    %c0_i32 = arith.constant 0 : i32
    %c0_i32_28 = arith.constant 0 : i32
    return %add3A, %min3A, %c0_i32 : i32, i32, i32
  }
  func.func @transform_2(%arg0: i32, %arg1: i32, %arg2: i32, %arg3: memref<16xi32, #tpu.memory_space<smem>>) -> (i32, i32, i32) {
    %c0_i32 = arith.constant 0 : i32
    %c0_i32_0 = arith.constant 0 : i32
    %c0_i32_1 = arith.constant 0 : i32
    return %arg0, %c0_i32, %c0_i32_0 : i32, i32, i32
  }
  func.func @transform_3(%arg0: i32, %arg1: i32, %arg2: i32, %arg3: memref<16xi32, #tpu.memory_space<smem>>) -> (i32, i32, i32) {
    %c0_i32 = arith.constant 0 : i32
    %c0_i32_0 = arith.constant 0 : i32
    %c0_i32_1 = arith.constant 0 : i32
    return %arg0, %c0_i32, %c0_i32_0 : i32, i32, i32
  }
  func.func @transform_4(%arg0: i32, %arg1: i32, %arg2: i32, %arg3: memref<16xi32, #tpu.memory_space<smem>>) -> (i32, i32, i32) {
    %c0_i32 = arith.constant 0 : i32
    %c0_i32_0 = arith.constant 0 : i32
    %c0_i32_1 = arith.constant 0 : i32
    return %arg0, %c0_i32, %c0_i32_0 : i32, i32, i32
  }
  func.func @transform_5(%arg0: i32, %arg1: i32, %arg2: i32, %arg3: memref<16xi32, #tpu.memory_space<smem>>) -> (i32, i32, i32) {
    %c0_i32 = arith.constant 0 : i32
    %c0_i32_0 = arith.constant 0 : i32
    %c0_i32_1 = arith.constant 0 : i32
    return %arg0, %c0_i32, %c0_i32_0 : i32, i32, i32
  }
  func.func @transform_6(%arg0: i32, %arg1: i32, %arg2: i32, %arg3: memref<16xi32, #tpu.memory_space<smem>>) -> (i32, i32, i32) {
    %mul3A = arith.constant 8 : i32
    %mul3A_0 = arith.muli %arg1, %mul3A : i32
    %add3A = arith.addi %mul3A_0, %arg0 : i32
    %c0_i32 = arith.constant 0 : i32
    %c0_i32_1 = arith.constant 0 : i32
    %c0_i32_2 = arith.constant 0 : i32
    return %add3A, %c0_i32, %c0_i32_1 : i32, i32, i32
  }
}

</mosaic_0001>

<sc_bundles>
// kernel: kernel.5.cloned.1.call-start
scs
__scs_entry_jumppad:
0x0: {  	(pc) =	sbr.rel $0x88, $3  }
0x1: {  	(tag) =	ssettag $0x0;
	lr =	simm.s32 $0x1  }
0x2: {  	[smem:$0x3F97] =	sst lr;
	_ =	strace $0xD0000000  }
0x3: {  	_ = 	snop  }
0x4: {  	_ = 	snop  }
0x5: {  	_ = 	snop  }
0x6: {  	_ = 	snop  }
0x7: {  	_ = 	snop  }
__scs_overlays_trampoline_lowered:
0x8: {  	[smem:$0x3FA6] =	sst s0  }
0x9: {  	[smem:$0x3FA7] =	sst s1  }
0xa: {  	[smem:$0x3FA8] =	sst s2  }
0xb: {  	[smem:$0x3FA9] =	sst s3  }
0xc: {  	[smem:$0x3FAA] =	sst s4  }
0xd: {  	[smem:$0x3FAB] =	sst s5  }
0xe: {  	[smem:$0x3FAC] =	sst s6  }
0xf: {  	[smem:$0x3FAD] =	sst s7  }
0x10: {  	[smem:$0x3FAE] =	sst s8  }
0x11: {  	[smem:$0x3FAF] =	sst s9;
	s0 =	simm.s32 @!p0 $0x0  }
0x12: {  	s1 =	sld [smem:$0x3F95];
	s0 =	simm.s32 @p0 $0x1  }
0x13: {  	[smem:$0x3FB0] =	sst s0;
	s0 =	simm.s32 @!p1 $0x0  }
0x14: {  	s2 =	sld [smem:$0x3F94];
	s0 =	simm.s32 @p1 $0x1  }
0x15: {  	[smem:$0x3FB1] =	sst s0;
	s0 =	simm.s32 @!p2 $0x0  }
0x16: {  	s3 =	sld [smem:$0x3FDB];
	s0 =	simm.s32 @p2 $0x1  }
0x17: {  	s4 =	simm.s32 $0x1BF5;
	[smem:$0x3FB3] =	sst s0  }
0x18: {  	s0 =	sld [smem:$0x3F96];
	_ =	swait.ge [sflag:s4], $0x0  }
0x19: {  	s7 =	sld [smem:$0x3F97]  }
0x1a: {  	s8 =	sadd.s32 $0xFFFFE003, lr  }
0x1b: {  	s9 =	sadd.s32 $0xFFFFFEF7, lr;
	s5 =	simm.s32 $0xFFFFFFFF;
	p2 =	slt.u32 s8, $0xFFFFF086  }
0x1c: {  	p1 =	slt.u32 s9, $0xF7A;
	s5 =	simm.s32 @!p2 $0x0  }
0x1d: {  	s5 =	simm.s32 @p1 $0x1;
	p0 =	seq.s32 s7, s2  }
0x1e: {  	s7 =	smul.u32 @!p0 $0xF7A, s2;
	p2 =	seq.s32 @!p0 s5, $0x0  }
0x1f: {  	s9 =	smul.u32 $0xF7A, s1;
	s8 =	simm.s32 @!p0 $0x1BF5;
	p2 =	por !p2, p0  }
0x20: {  	[sflag:s8] =	ssyncset.s32 @!p0 $0xFFFFF086;
	s6 =	sadd.s32 @!p0 s3, s7;
	s7 =	simm.s32 @!p0 $0x108  }
0x21: {  	s3 =	sadd.s32 s3, s9;
	s6 =	sadd.s32 @!p0 $0x88, s6;
	s7 =	simm.s32 @p2 $0x1082  }
0x22: {  	[simem:s7], [sflag:s8] =	dma.local @!p0 [hbm:s6], $0xF7A  }
0x23: {  	s9 =	sor.u32 $0xD0000000, s2;
	s6 =	simm.s32 $0x108;
	_ =	swait.ge @!p0 [sflag:s8], $0x0  }
0x24: {  	s3 =	sadd.s32 $0x88, s3;
	s6 =	simm.s32 @!p1 $0x1082;
	[sflag:s4] =	ssyncset.s32 $0xFFFFF086  }
0x25: {  	[simem:s6], [sflag:s4] =	dma.local [hbm:s3], $0xF7A  }
0x26: {  	[smem:$0x3F97] =	sst s1;
	(tag) =	ssettag s2;
	_ =	strace s9  }
0x27: {  	s1 =	sld [smem:$0x3FA7]  }
0x28: {  	s2 =	sld [smem:$0x3FA8]  }
0x29: {  	s4 =	sld [smem:$0x3FAA]  }
0x2a: {  	p0 =	seq.s32 s5, $0x0;
	s5 =	sld [smem:$0x3FAB]  }
0x2b: {  	s6 =	sld [smem:$0x3FAC]  }
0x2c: {  	s7 =	sld [smem:$0x3FAD]  }
0x2d: {  	s3 =	simm.s32 $0x108;
	s8 =	sld [smem:$0x3FAE]  }
0x2e: {  	s3 =	simm.s32 @!p0 $0x1082;
	s9 =	sld [smem:$0x3FAF]  }
0x2f: {  	lr =	sadd.s32 s0, s3;
	s0 =	sld [smem:$0x3FA6]  }
0x30: {  	s3 =	sld [smem:$0x3FA9]  }
0x31: {  	[smem:$0x3FB2] =	sst s10  }
0x32: {  	s10 =	sld [smem:$0x3FB0];
	_ =	sdelay $0x3  }
0x33: {  	p0 =	seq.s32 s10, $0x1;
	s10 =	sld [smem:$0x3FB2];
	_ =	sdelay $0x3  }
0x34: {  	[smem:$0x3FB2] =	sst s10  }
0x35: {  	s10 =	sld [smem:$0x3FB1];
	_ =	sdelay $0x3  }
0x36: {  	p1 =	seq.s32 s10, $0x1;
	s10 =	sld [smem:$0x3FB2];
	_ =	sdelay $0x3  }
0x37: {  	[smem:$0x3FB2] =	sst s10  }
0x38: {  	s10 =	sld [smem:$0x3FB3]  }
0x39: {  	_ = 	snop;
	(pc) =	sbr.ind lr, $3  }
0x3a: {  	_ = 	snop  }
0x3b: {  	_ = 	snop  }
0x3c: {  	p2 =	seq.s32 s10, $0x1;
	s10 =	sld [smem:$0x3FB2]  }
0x3d: {  	_ =	shalt  }
0x3e: {  	_ =	shalt  }
0x3f: {  	_ =	shalt  }
0x40: {  	_ =	shalt  }
0x41: {  	_ =	shalt  }
0x42: {  	_ =	shalt  }
0x43: {  	_ =	shalt  }
0x44: {  	_ =	shalt  }
0x45: {  	_ =	shalt  }
0x46: {  	_ =	shalt  }
0x47: {  	_ =	shalt  }
0x48: {  	_ =	shalt  }
0x49: {  	_ =	shalt  }
0x4a: {  	_ =	shalt  }
0x4b: {  	_ =	shalt  }
0x4c: {  	_ =	shalt  }
0x4d: {  	_ =	shalt  }
0x4e: {  	_ =	shalt  }
0x4f: {  	_ =	shalt  }
0x50: {  	_ =	shalt  }
0x51: {  	_ =	shalt  }
0x52: {  	_ =	shalt  }
0x53: {  	_ =	shalt  }
0x54: {  	_ =	shalt  }
0x55: {  	_ =	shalt  }
0x56: {  	_ =	shalt  }
0x57: {  	_ =	shalt  }
0x58: {  	_ =	shalt  }
0x59: {  	_ =	shalt  }
0x5a: {  	_ =	shalt  }
0x5b: {  	_ =	shalt  }
0x5c: {  	_ =	shalt  }
0x5d: {  	_ =	shalt  }
0x5e: {  	_ =	shalt  }
0x5f: {  	_ =	shalt  }
0x60: {  	_ =	shalt  }
0x61: {  	_ =	shalt  }
0x62: {  	_ =	shalt  }
0x63: {  	_ =	shalt  }
0x64: {  	_ =	shalt  }
0x65: {  	_ =	shalt  }
0x66: {  	_ =	shalt  }
0x67: {  	_ =	shalt  }
0x68: {  	_ =	shalt  }
0x69: {  	_ =	shalt  }
0x6a: {  	_ =	shalt  }
0x6b: {  	_ =	shalt  }
0x6c: {  	_ =	shalt  }
0x6d: {  	_ =	shalt  }
0x6e: {  	_ =	shalt  }
0x6f: {  	_ =	shalt  }
0x70: {  	_ =	shalt  }
0x71: {  	_ =	shalt  }
0x72: {  	_ =	shalt  }
0x73: {  	_ =	shalt  }
0x74: {  	_ =	shalt  }
0x75: {  	_ =	shalt  }
0x76: {  	_ =	shalt  }
0x77: {  	_ =	shalt  }
0x78: {  	_ =	shalt  }
0x79: {  	_ =	shalt  }
0x7a: {  	_ =	shalt  }
0x7b: {  	_ =	shalt  }
0x7c: {  	_ =	shalt  }
0x7d: {  	_ =	shalt  }
0x7e: {  	_ =	shalt  }
0x7f: {  	_ =	shalt  }
0x80: {  	_ =	shalt  }
0x81: {  	_ =	shalt  }
0x82: {  	_ =	shalt  }
0x83: {  	_ =	shalt  }
0x84: {  	_ =	shalt  }
0x85: {  	_ =	shalt  }
0x86: {  	_ =	shalt  }
0x87: {  	_ =	shalt  }
.Lfunc_end0:
.L_simem_size_0:
called_computation_lowered:
.L_overlay_start_0:
0x88: {  	s2 =	sld [smem:$0x3FD9]  }
0x89: {  	s3 =	sld [smem:$0x3FFE];
	_ =	sdelay $0x1  }
0x8a: {  	s1 =	srdreg.scid  }
0x8b: {  	s0 =	sand.u32 $0x1, s1  }
0x8c: {  	s14 =	sshll.u32 s0, $0xA;
	s2 =	sadd.s32 s3, s2  }
0x8d: {  	s2 =	sadd.s32 s2, s14  }
0x8e: {  	[smem:$0x3FBE] =	sst s2  }
0x8f: {  	_ = 	snop  }
0x90: {  	s2 =	sld [smem:$0x3FD0];
	_ =	sdelay $0x2  }
0x91: {  	s15 =	simm.s32 $0xA;
	s4 =	simm.s32 $0x10  }
0x92: {  	[smem:s4], [sflag:s15] =	dma.local [hbm:s2], $0x1  }
0x93: {  	_ =	swait.eq [sflag:s15], $0x1  }
0x94: {  	[sflag:s15] =	ssyncset.done $0x0  }
0x95: {  	[sflag:s15] =	ssyncadd.s32 $0xFFFFFFFF  }
0x96: {  	s16 =	sld [smem:$0x10];
	(tm) =	ssettm $0x1  }
0x97: {  	s17 =	sld [smem:$0x3FFB];
	_ =	sdelay $0x3  }
0x98: {  	_ =	strace s17  }
0x99: {  	s3 =	sld [smem:$0x3FFC];
	_ =	sdelay $0x3  }
0x9a: {  	_ =	strace s3  }
0x9b: {  	s3 =	sld [smem:$0x3FFD];
	_ =	sdelay $0x3  }
0x9c: {  	_ =	strace s3  }
0x9d: {  	_ =	strace $0x8FFFFFFF  }
0x9e: {  	s18 =	sld [smem:$0x3FDB];
	_ =	sdelay $0x1  }
0x9f: {  	s19 =	simm.s32 $_scs_section_size  }
0xa0: {  	s5 =	simm.s32 $_size__tile_overlayer_lowered;
	s6 =	simm.s32 $_tile_overlayer_lowered  }
0xa1: {  	s22 =	simm.s32 $0x1BFF;
	s21 =	sshll.u32 s6, $0x1;
	s3 =	sadd.s32 s19, s18  }
0xa2: {  	s7 =	simm.s32 $0x0;
	s20 =	sshll.u32 s5, $0x1;
	s5 =	sadd.s32 s21, s3  }
0xa3: {  	[timem:s7], [sflag:s22] =	dma.local [hbm:s5], s20  }
0xa4: {  	_ =	swait.ge [sflag:s22], s20  }
0xa5: {  	s4 =	ssub.s32 $0x0, s20;
	[sflag:s22] =	ssyncset.done $0x0  }
0xa6: {  	[sflag:s22] =	ssyncadd.s32 s4;
	_ =	sdelay $0x1  }
0xa7: {  	s23 =	simm.s32 $0x1B8B  }
0xa8: {  	_ =	swait.ge [sflag:s23], $0x1  }
0xa9: {  	[sflag:s23] =	ssyncset.done $0x0  }
0xaa: {  	s25 =	simm.s32 $0x1B8E;
	s24 =	sld [smem:$0x3FFE];
	[sflag:s23] =	ssyncadd.s32 $0xFFFFFFFF  }
0xab: {  	s26 =	simm.s32 $execute0_lowered;
	[smem:$0x3FD2] =	sst s25  }
0xac: {  	s5 =	sshll.u32 s26, $0x1;
	_ =	strace $0x80000046;
	[dreg:$0x1] =	wrdreg $0xFFFFFFFF  }
0xad: {  	s28 =	simm.s32 $_size_execute0_lowered;
	s3 =	sadd.s32 s3, s5;
	[dreg:$0x0] =	wrdreg $0x0  }
0xae: {  	s5 =	sshll.u32 s28, $0x1;
	[dreg:$0x2] =	wrdreg s3  }
0xaf: {  	[dreg:$0x3] =	wrdreg s5  }
0xb0: {  	[dreg:$0x4] =	wrdreg $0xC0  }
0xb1: {  	_ =	task [dreg:s7], $0x5FFFF  }
0xb2: {  	[dreg:$0x1] =	wrdreg $0xFFFFFFFF  }
0xb3: {  	[dreg:$0x0] =	wrdreg $0x60  }
0xb4: {  	[dreg:$0x2] =	wrdreg s24  }
0xb5: {  	[dreg:$0x3] =	wrdreg s16  }
0xb6: {  	[dreg:$0x4] =	wrdreg $0x9  }
0xb7: {  	_ =	task.clear_ibuf [dreg:s7], $0x5FFFF;
	_ =	strace $0x90000046  }
0xb8: {  	s29 =	simm.s32 $0x9;
	_ =	strace $0x80000048  }
0xb9: {  	_ =	swait.ge [sflag:s29], $0x1  }
0xba: {  	[sflag:s29] =	ssyncadd.s32 $0xFFFFFFFF  }
0xbb: {  	_ =	strace $0x90000048  }
0xbc: {  	_ =	sfence  }
0xbd: {  	s30 =	sld [smem:$0x0];
	_ =	sdelay $0x2  }
0xbe: {  	s31 =	sshll.u32 s1, $0xD;
	s1 =	sshrl.u32 s1, $0x2  }
0xbf: {  	s3 =	sand.u32 $0x4000, s31;
	s1 =	sadd.s32 s1, s30  }
0xc0: {  	s0 =	sor.u32 s3, s0;
	s1 =	sshll.u32 s1, $0x11  }
0xc1: {  	s0 =	sor.u32 s1, s0  }
0xc2: {  	s0 =	sadd.s32 $0x8F2B, s0  }
0xc3: {  	[sflag:s0] =	ssyncadd.remote.s32 $0x1  }
0xc4: {  	_ =	sfence.sel $0xFFFF  }
0xc5: {  	[dreg:$0x0] =	wrdreg $0xFFFFFFFF;
	(pc) =	sbr.abs _section_cstart, $3  }
0xc6: {  	[dreg:$0x1] =	wrdreg $0xFFFFFFFF  }
0xc7: {  	_ =	task.clear_ibuf [dreg:s7], $0x2FFFF;
	_ =	strace $0x9FFFFFFF  }
0xc8: {  	(tm) =	ssettm $0x7FFFFFFF  }
0xc9: {  	_ =	shalt  }
tec
execute0_lowered:
.L_overlay_start_1:
0x0: {  	(tag) =	ssettag $0x1  }
0x1: {  	s1 =	srdreg.scid  }
0x2: {  	s0 =	stileid.u32;
	s23 =	sand.u32 $0x1, s1  }
0x3: {  	s14 =	rddreg [dreg:$0x0];
	s22 =	sshll.u32 s0, $0xA;
	s3 =	sshll.u32 s23, $0x9  }
0x4: {  	s21 =	rddreg [dreg:$0x1];
	s2 =	simm.s32 $0x0;
	s3 =	sor.u32 s3, s22  }
0x5: {  	s4 =	simm.s32 $0x2;
	[smem:$0x7FF] =	sst s2;
	s9 =	sshrl.u32 s3, $0x3  }
0x6: {  	s1 =	rddreg [dreg:$0x2];
	_ =	strace $0x80000047;
	s3 =	sadd.s32 s21, s9  }
0x7: {  	[tilespmem:s2], [sflag:$0x2] =	stream.linear.gather [hbm4b:s3+s2], $0x80, $0x38;
	[tilespmem:$0x12100] =	vst v63  }
0x8: {  	_ =	swait.ge [sflag:s4], $0x80  }
0x9: {  	s6 =	simm.s32 $0x40;
	s8 =	simm.s32 $0x100;
	[sflag:s4] =	ssyncset.done $0x0  }
0xa: {  	s7 =	simm.s32 $0x1;
	s5 =	sadd.s32 $0x2200, s14;
	[sflag:s4] =	ssyncadd.s32 $0xFFFFFF80  }
0xb: {  	[tilespmem:s8], [sflag:$0x1] =	stream.indirect.gather [hbm4b:s5+s6], $0x400, s2, s6, $0xb8;
	[tilespmem:$0x12100] =	vst v63  }
0xc: {  	_ =	swait.ge [sflag:s7], $0x10000  }
0xd: {  	s24 =	sadd.s32 $0xA2200, s14;
	[sflag:s7] =	ssyncset.done $0x0  }
0xe: {  	s10 =	simm.s32 $0x80;
	s9 =	sadd.s32 s24, s9;
	[sflag:s7] =	ssyncadd.s32 $0xFFFF0000  }
0xf: {  	[tilespmem:s10], [sflag:$0x2] =	stream.linear.gather [hbm4b:s9+s2], $0x80, $0x38;
	[tilespmem:$0x12100] =	vst v63  }
0x10: {  	_ =	swait.ge [sflag:s4], $0x80  }
0x11: {  	s11 =	sadd.s32 $0xA2A00, s14;
	[sflag:s4] =	ssyncset.done $0x0  }
0x12: {  	s12 =	sshll.u32 s0, $0x3;
	s13 =	sshll.u32 s23, $0x2;
	[sflag:s4] =	ssyncadd.s32 $0xFFFFFF80  }
0x13: {  	[hbm4b:s11+s6] =	stream.indirect.scatter [tilespmem:s8], [sflag:$0x1], $0x400, s10, s6, $0xb8;
	[tilespmem:$0x12100] =	vst v63  }
0x14: {  	s26 =	sor.u32 s13, s12;
	_ =	swait.ge [sflag:s7], $0x10000  }
0x15: {  	s25 =	sadd.s32 $0x82200, s14;
	s12 =	sshll.u32 s26, $0xA;
	[sflag:s7] =	ssyncset.done $0x0  }
0x16: {  	s13 =	simm.s32 $0x10100;
	s12 =	sadd.s32 s25, s12;
	[sflag:s7] =	ssyncadd.s32 $0xFFFF0000  }
0x17: {  	[tilespmem:s13], [sflag:$0x2] =	stream.linear.gather [hbm4b:s12+s2], $0x2000, $0x38;
	[tilespmem:$0x12100] =	vst v63  }
0x18: {  	s17 =	sor.u32 $0x1, s26;
	_ =	swait.ge [sflag:s4], $0x2000  }
0x19: {  	s15 =	sshll.u32 s17, $0x7;
	[sflag:s4] =	ssyncset.done $0x0  }
0x1a: {  	s14 =	sadd.s32 $0x4A2A00, s14;
	s15 =	sand.u32 $0x280, s15;
	[sflag:s4] =	ssyncadd.s32 $0xFFFFE000  }
0x1b: {  	[hbm4b:s14+s6] =	stream.indirect.scatter [tilespmem:s13], [sflag:$0x1], $0x80, s10, s6, $0xb8;
	[tilespmem:$0x12100] =	vst v63  }
0x1c: {  	s15 =	sor.u32 s22, s15;
	_ =	swait.ge [sflag:s7], $0x2000  }
0x1d: {  	s16 =	sshrl.u32 s15, $0x3;
	[sflag:s7] =	ssyncset.done $0x0  }
0x1e: {  	s15 =	sadd.s32 s21, s16;
	[sflag:s7] =	ssyncadd.s32 $0xFFFFE000  }
0x1f: {  	[tilespmem:s2], [sflag:$0x2] =	stream.linear.gather [hbm4b:s15+s2], $0x80, $0x38;
	[tilespmem:$0x12100] =	vst v63  }
0x20: {  	_ =	swait.ge [sflag:s4], $0x80  }
0x21: {  	[sflag:s4] =	ssyncset.done $0x0  }
0x22: {  	[sflag:s4] =	ssyncadd.s32 $0xFFFFFF80  }
0x23: {  	[tilespmem:s8], [sflag:$0x1] =	stream.indirect.gather [hbm4b:s5+s6], $0x400, s2, s6, $0xb8;
	[tilespmem:$0x12100] =	vst v63  }
0x24: {  	_ =	swait.ge [sflag:s7], $0x10000  }
0x25: {  	[sflag:s7] =	ssyncset.done $0x0  }
0x26: {  	s16 =	sadd.s32 s24, s16;
	[sflag:s7] =	ssyncadd.s32 $0xFFFF0000  }
0x27: {  	[tilespmem:s10], [sflag:$0x2] =	stream.linear.gather [hbm4b:s16+s2], $0x80, $0x38;
	[tilespmem:$0x12100] =	vst v63  }
0x28: {  	_ =	swait.ge [sflag:s4], $0x80  }
0x29: {  	[sflag:s4] =	ssyncset.done $0x0  }
0x2a: {  	[sflag:s4] =	ssyncadd.s32 $0xFFFFFF80  }
0x2b: {  	[hbm4b:s11+s6] =	stream.indirect.scatter [tilespmem:s8], [sflag:$0x1], $0x400, s10, s6, $0xb8;
	[tilespmem:$0x12100] =	vst v63  }
0x2c: {  	_ =	swait.ge [sflag:s7], $0x10000  }
0x2d: {  	s17 =	sshll.u32 s17, $0xA;
	[sflag:s7] =	ssyncset.done $0x0  }
0x2e: {  	s17 =	sadd.s32 s25, s17;
	[sflag:s7] =	ssyncadd.s32 $0xFFFF0000  }
0x2f: {  	[tilespmem:s13], [sflag:$0x2] =	stream.linear.gather [hbm4b:s17+s2], $0x2000, $0x38;
	[tilespmem:$0x12100] =	vst v63  }
0x30: {  	s20 =	sor.u32 $0x2, s26;
	_ =	swait.ge [sflag:s4], $0x2000  }
0x31: {  	s18 =	sshll.u32 s20, $0x7;
	[sflag:s4] =	ssyncset.done $0x0  }
0x32: {  	s18 =	sand.u32 $0x300, s18;
	[sflag:s4] =	ssyncadd.s32 $0xFFFFE000  }
0x33: {  	[hbm4b:s14+s6] =	stream.indirect.scatter [tilespmem:s13], [sflag:$0x1], $0x80, s10, s6, $0xb8;
	[tilespmem:$0x12100] =	vst v63  }
0x34: {  	s18 =	sor.u32 s22, s18;
	_ =	swait.ge [sflag:s7], $0x2000  }
0x35: {  	s19 =	sshrl.u32 s18, $0x3;
	[sflag:s7] =	ssyncset.done $0x0  }
0x36: {  	s18 =	sadd.s32 s21, s19;
	[sflag:s7] =	ssyncadd.s32 $0xFFFFE000  }
0x37: {  	[tilespmem:s2], [sflag:$0x2] =	stream.linear.gather [hbm4b:s18+s2], $0x80, $0x38;
	[tilespmem:$0x12100] =	vst v63  }
0x38: {  	_ =	swait.ge [sflag:s4], $0x80  }
0x39: {  	[sflag:s4] =	ssyncset.done $0x0  }
0x3a: {  	[sflag:s4] =	ssyncadd.s32 $0xFFFFFF80  }
0x3b: {  	[tilespmem:s8], [sflag:$0x1] =	stream.indirect.gather [hbm4b:s5+s6], $0x400, s2, s6, $0xb8;
	[tilespmem:$0x12100] =	vst v63  }
0x3c: {  	_ =	swait.ge [sflag:s7], $0x10000  }
0x3d: {  	[sflag:s7] =	ssyncset.done $0x0  }
0x3e: {  	s19 =	sadd.s32 s24, s19;
	[sflag:s7] =	ssyncadd.s32 $0xFFFF0000  }
0x3f: {  	[tilespmem:s10], [sflag:$0x2] =	stream.linear.gather [hbm4b:s19+s2], $0x80, $0x38;
	[tilespmem:$0x12100] =	vst v63  }
0x40: {  	_ =	swait.ge [sflag:s4], $0x80  }
0x41: {  	[sflag:s4] =	ssyncset.done $0x0  }
0x42: {  	[sflag:s4] =	ssyncadd.s32 $0xFFFFFF80  }
0x43: {  	[hbm4b:s11+s6] =	stream.indirect.scatter [tilespmem:s8], [sflag:$0x1], $0x400, s10, s6, $0xb8;
	[tilespmem:$0x12100] =	vst v63  }
0x44: {  	_ =	swait.ge [sflag:s7], $0x10000  }
0x45: {  	s20 =	sshll.u32 s20, $0xA;
	[sflag:s7] =	ssyncset.done $0x0  }
0x46: {  	s20 =	sadd.s32 s25, s20;
	[sflag:s7] =	ssyncadd.s32 $0xFFFF0000  }
0x47: {  	[tilespmem:s13], [sflag:$0x2] =	stream.linear.gather [hbm4b:s20+s2], $0x2000, $0x38;
	[tilespmem:$0x12100] =	vst v63  }
0x48: {  	s26 =	sor.u32 $0x3, s26;
	_ =	swait.ge [sflag:s4], $0x2000  }
0x49: {  	s28 =	sshll.u32 s26, $0x7;
	[sflag:s4] =	ssyncset.done $0x0  }
0x4a: {  	s28 =	sand.u32 $0x380, s28;
	[sflag:s4] =	ssyncadd.s32 $0xFFFFE000  }
0x4b: {  	[hbm4b:s14+s6] =	stream.indirect.scatter [tilespmem:s13], [sflag:$0x1], $0x80, s10, s6, $0xb8;
	[tilespmem:$0x12100] =	vst v63  }
0x4c: {  	s22 =	sor.u32 s22, s28;
	_ =	swait.ge [sflag:s7], $0x2000  }
0x4d: {  	s22 =	sshrl.u32 s22, $0x3;
	[sflag:s7] =	ssyncset.done $0x0  }
0x4e: {  	s21 =	sadd.s32 s21, s22;
	[sflag:s7] =	ssyncadd.s32 $0xFFFFE000  }
0x4f: {  	[tilespmem:s2], [sflag:$0x2] =	stream.linear.gather [hbm4b:s21+s2], $0x80, $0x38;
	[tilespmem:$0x12100] =	vst v63  }
0x50: {  	_ =	swait.ge [sflag:s4], $0x80  }
0x51: {  	[sflag:s4] =	ssyncset.done $0x0  }
0x52: {  	[sflag:s4] =	ssyncadd.s32 $0xFFFFFF80  }
0x53: {  	[tilespmem:s8], [sflag:$0x1] =	stream.indirect.gather [hbm4b:s5+s6], $0x400, s2, s6, $0xb8;
	[tilespmem:$0x12100] =	vst v63  }
0x54: {  	_ =	swait.ge [sflag:s7], $0x10000  }
0x55: {  	[sflag:s7] =	ssyncset.done $0x0  }
0x56: {  	s22 =	sadd.s32 s24, s22;
	[sflag:s7] =	ssyncadd.s32 $0xFFFF0000  }
0x57: {  	[tilespmem:s10], [sflag:$0x2] =	stream.linear.gather [hbm4b:s22+s2], $0x80, $0x38;
	[tilespmem:$0x12100] =	vst v63  }
0x58: {  	_ =	swait.ge [sflag:s4], $0x80  }
0x59: {  	[sflag:s4] =	ssyncset.done $0x0  }
0x5a: {  	s30 =	ssub.s32 $0x2, s23;
	[sflag:s4] =	ssyncadd.s32 $0xFFFFFF80  }
0x5b: {  	[hbm4b:s11+s6] =	stream.indirect.scatter [tilespmem:s8], [sflag:$0x1], $0x400, s10, s6, $0xb8;
	[tilespmem:$0x12100] =	vst v63  }
0x5c: {  	s31 =	sshrl.u32 s30, $0x1;
	_ =	swait.ge [sflag:s7], $0x10000  }
0x5d: {  	s29 =	sshll.u32 s26, $0xA;
	s24 =	ssub.s32 s30, s31;
	[sflag:s7] =	ssyncset.done $0x0  }
0x5e: {  	s23 =	sadd.s32 s25, s29;
	s24 =	smax.u32 s24, $0x1;
	[sflag:s7] =	ssyncadd.s32 $0xFFFF0000  }
0x5f: {  	[tilespmem:s13], [sflag:$0x2] =	stream.linear.gather [hbm4b:s23+s2], $0x2000, $0x38;
	[tilespmem:$0x12100] =	vst v63  }
0x60: {  	p0 =	sne.s32 s24, $0x1;
	_ =	swait.ge [sflag:s4], $0x2000  }
.Ltmp0:
0x61: {  	[sflag:s4] =	ssyncset.done $0x0;
	(pc) =	sbr.rel @!p0 .LBB2_2-.Ltmp0, $4  }
0x62: {  	[sflag:s4] =	ssyncadd.s32 $0xFFFFE000  }
0x63: {  	[hbm4b:s14+s6] =	stream.indirect.scatter [tilespmem:s13], [sflag:$0x1], $0x80, s10, s6, $0xb8;
	[tilespmem:$0x12100] =	vst v63  }
0x64: {  	_ =	swait.ge [sflag:s7], $0x2000  }
0x65: {  	s24 =	sadd.s32 $0xFFFFFFFF, s24;
	[sflag:s7] =	ssyncset.done $0x0  }
.LBB2_1:
0x66: {  	p0 =	sne.s32 s24, $0x1;
	s24 =	sadd.s32 $0xFFFFFFFF, s24;
	[sflag:s7] =	ssyncadd.s32 $0xFFFFE000  }
0x67: {  	[tilespmem:s2], [sflag:$0x2] =	stream.linear.gather [hbm4b:s3+s2], $0x80, $0x38;
	[tilespmem:$0x12100] =	vst v63  }
0x68: {  	_ =	swait.ge [sflag:s4], $0x80  }
0x69: {  	[sflag:s4] =	ssyncset.done $0x0  }
0x6a: {  	[sflag:s4] =	ssyncadd.s32 $0xFFFFFF80  }
0x6b: {  	[tilespmem:s8], [sflag:$0x1] =	stream.indirect.gather [hbm4b:s5+s6], $0x400, s2, s6, $0xb8;
	[tilespmem:$0x12100] =	vst v63  }
0x6c: {  	_ =	swait.ge [sflag:s7], $0x10000  }
0x6d: {  	[sflag:s7] =	ssyncset.done $0x0  }
0x6e: {  	[sflag:s7] =	ssyncadd.s32 $0xFFFF0000  }
0x6f: {  	[tilespmem:s10], [sflag:$0x2] =	stream.linear.gather [hbm4b:s9+s2], $0x80, $0x38;
	[tilespmem:$0x12100] =	vst v63  }
0x70: {  	_ =	swait.ge [sflag:s4], $0x80  }
0x71: {  	[sflag:s4] =	ssyncset.done $0x0  }
0x72: {  	[sflag:s4] =	ssyncadd.s32 $0xFFFFFF80  }
0x73: {  	[hbm4b:s11+s6] =	stream.indirect.scatter [tilespmem:s8], [sflag:$0x1], $0x400, s10, s6, $0xb8;
	[tilespmem:$0x12100] =	vst v63  }
0x74: {  	_ =	swait.ge [sflag:s7], $0x10000  }
0x75: {  	[sflag:s7] =	ssyncset.done $0x0  }
0x76: {  	[sflag:s7] =	ssyncadd.s32 $0xFFFF0000  }
0x77: {  	[tilespmem:s13], [sflag:$0x2] =	stream.linear.gather [hbm4b:s12+s2], $0x2000, $0x38;
	[tilespmem:$0x12100] =	vst v63  }
0x78: {  	_ =	swait.ge [sflag:s4], $0x2000  }
0x79: {  	[sflag:s4] =	ssyncset.done $0x0  }
0x7a: {  	[sflag:s4] =	ssyncadd.s32 $0xFFFFE000  }
0x7b: {  	[hbm4b:s14+s6] =	stream.indirect.scatter [tilespmem:s13], [sflag:$0x1], $0x80, s10, s6, $0xb8;
	[tilespmem:$0x12100] =	vst v63  }
0x7c: {  	_ =	swait.ge [sflag:s7], $0x2000  }
0x7d: {  	[sflag:s7] =	ssyncset.done $0x0  }
0x7e: {  	[sflag:s7] =	ssyncadd.s32 $0xFFFFE000  }
0x7f: {  	[tilespmem:s2], [sflag:$0x2] =	stream.linear.gather [hbm4b:s15+s2], $0x80, $0x38;
	[tilespmem:$0x12100] =	vst v63  }
0x80: {  	_ =	swait.ge [sflag:s4], $0x80  }
0x81: {  	[sflag:s4] =	ssyncset.done $0x0  }
0x82: {  	[sflag:s4] =	ssyncadd.s32 $0xFFFFFF80  }
0x83: {  	[tilespmem:s8], [sflag:$0x1] =	stream.indirect.gather [hbm4b:s5+s6], $0x400, s2, s6, $0xb8;
	[tilespmem:$0x12100] =	vst v63  }
0x84: {  	_ =	swait.ge [sflag:s7], $0x10000  }
0x85: {  	[sflag:s7] =	ssyncset.done $0x0  }
0x86: {  	[sflag:s7] =	ssyncadd.s32 $0xFFFF0000  }
0x87: {  	[tilespmem:s10], [sflag:$0x2] =	stream.linear.gather [hbm4b:s16+s2], $0x80, $0x38;
	[tilespmem:$0x12100] =	vst v63  }
0x88: {  	_ =	swait.ge [sflag:s4], $0x80  }
0x89: {  	[sflag:s4] =	ssyncset.done $0x0  }
0x8a: {  	[sflag:s4] =	ssyncadd.s32 $0xFFFFFF80  }
0x8b: {  	[hbm4b:s11+s6] =	stream.indirect.scatter [tilespmem:s8], [sflag:$0x1], $0x400, s10, s6, $0xb8;
	[tilespmem:$0x12100] =	vst v63  }
0x8c: {  	_ =	swait.ge [sflag:s7], $0x10000  }
0x8d: {  	[sflag:s7] =	ssyncset.done $0x0  }
0x8e: {  	[sflag:s7] =	ssyncadd.s32 $0xFFFF0000  }
0x8f: {  	[tilespmem:s13], [sflag:$0x2] =	stream.linear.gather [hbm4b:s17+s2], $0x2000, $0x38;
	[tilespmem:$0x12100] =	vst v63  }
0x90: {  	_ =	swait.ge [sflag:s4], $0x2000  }
0x91: {  	[sflag:s4] =	ssyncset.done $0x0  }
0x92: {  	[sflag:s4] =	ssyncadd.s32 $0xFFFFE000  }
0x93: {  	[hbm4b:s14+s6] =	stream.indirect.scatter [tilespmem:s13], [sflag:$0x1], $0x80, s10, s6, $0xb8;
	[tilespmem:$0x12100] =	vst v63  }
0x94: {  	_ =	swait.ge [sflag:s7], $0x2000  }
0x95: {  	[sflag:s7] =	ssyncset.done $0x0  }
0x96: {  	[sflag:s7] =	ssyncadd.s32 $0xFFFFE000  }
0x97: {  	[tilespmem:s2], [sflag:$0x2] =	stream.linear.gather [hbm4b:s18+s2], $0x80, $0x38;
	[tilespmem:$0x12100] =	vst v63  }
0x98: {  	_ =	swait.ge [sflag:s4], $0x80  }
0x99: {  	[sflag:s4] =	ssyncset.done $0x0  }
0x9a: {  	[sflag:s4] =	ssyncadd.s32 $0xFFFFFF80  }
0x9b: {  	[tilespmem:s8], [sflag:$0x1] =	stream.indirect.gather [hbm4b:s5+s6], $0x400, s2, s6, $0xb8;
	[tilespmem:$0x12100] =	vst v63  }
0x9c: {  	_ =	swait.ge [sflag:s7], $0x10000  }
0x9d: {  	[sflag:s7] =	ssyncset.done $0x0  }
0x9e: {  	[sflag:s7] =	ssyncadd.s32 $0xFFFF0000  }
0x9f: {  	[tilespmem:s10], [sflag:$0x2] =	stream.linear.gather [hbm4b:s19+s2], $0x80, $0x38;
	[tilespmem:$0x12100] =	vst v63  }
0xa0: {  	_ =	swait.ge [sflag:s4], $0x80  }
0xa1: {  	[sflag:s4] =	ssyncset.done $0x0  }
0xa2: {  	[sflag:s4] =	ssyncadd.s32 $0xFFFFFF80  }
0xa3: {  	[hbm4b:s11+s6] =	stream.indirect.scatter [tilespmem:s8], [sflag:$0x1], $0x400, s10, s6, $0xb8;
	[tilespmem:$0x12100] =	vst v63  }
0xa4: {  	_ =	swait.ge [sflag:s7], $0x10000  }
0xa5: {  	[sflag:s7] =	ssyncset.done $0x0  }
0xa6: {  	[sflag:s7] =	ssyncadd.s32 $0xFFFF0000  }
0xa7: {  	[tilespmem:s13], [sflag:$0x2] =	stream.linear.gather [hbm4b:s20+s2], $0x2000, $0x38;
	[tilespmem:$0x12100] =	vst v63  }
0xa8: {  	_ =	swait.ge [sflag:s4], $0x2000  }
0xa9: {  	[sflag:s4] =	ssyncset.done $0x0  }
0xaa: {  	[sflag:s4] =	ssyncadd.s32 $0xFFFFE000  }
0xab: {  	[hbm4b:s14+s6] =	stream.indirect.scatter [tilespmem:s13], [sflag:$0x1], $0x80, s10, s6, $0xb8;
	[tilespmem:$0x12100] =	vst v63  }
0xac: {  	_ =	swait.ge [sflag:s7], $0x2000  }
0xad: {  	[sflag:s7] =	ssyncset.done $0x0  }
0xae: {  	[sflag:s7] =	ssyncadd.s32 $0xFFFFE000  }
0xaf: {  	[tilespmem:s2], [sflag:$0x2] =	stream.linear.gather [hbm4b:s21+s2], $0x80, $0x38;
	[tilespmem:$0x12100] =	vst v63  }
0xb0: {  	_ =	swait.ge [sflag:s4], $0x80  }
0xb1: {  	[sflag:s4] =	ssyncset.done $0x0  }
0xb2: {  	[sflag:s4] =	ssyncadd.s32 $0xFFFFFF80  }
0xb3: {  	[tilespmem:s8], [sflag:$0x1] =	stream.indirect.gather [hbm4b:s5+s6], $0x400, s2, s6, $0xb8;
	[tilespmem:$0x12100] =	vst v63  }
0xb4: {  	_ =	swait.ge [sflag:s7], $0x10000  }
0xb5: {  	[sflag:s7] =	ssyncset.done $0x0  }
0xb6: {  	[sflag:s7] =	ssyncadd.s32 $0xFFFF0000  }
0xb7: {  	[tilespmem:s10], [sflag:$0x2] =	stream.linear.gather [hbm4b:s22+s2], $0x80, $0x38;
	[tilespmem:$0x12100] =	vst v63  }
0xb8: {  	_ =	swait.ge [sflag:s4], $0x80  }
0xb9: {  	[sflag:s4] =	ssyncset.done $0x0  }
0xba: {  	[sflag:s4] =	ssyncadd.s32 $0xFFFFFF80  }
0xbb: {  	[hbm4b:s11+s6] =	stream.indirect.scatter [tilespmem:s8], [sflag:$0x1], $0x400, s10, s6, $0xb8;
	[tilespmem:$0x12100] =	vst v63  }
0xbc: {  	_ =	swait.ge [sflag:s7], $0x10000  }
0xbd: {  	[sflag:s7] =	ssyncset.done $0x0  }
0xbe: {  	[sflag:s7] =	ssyncadd.s32 $0xFFFF0000  }
0xbf: {  	[tilespmem:s13], [sflag:$0x2] =	stream.linear.gather [hbm4b:s23+s2], $0x2000, $0x38;
	[tilespmem:$0x12100] =	vst v63  }
0xc0: {  	_ =	swait.ge [sflag:s4], $0x2000  }
.Ltmp1:
0xc1: {  	[sflag:s4] =	ssyncset.done $0x0;
	(pc) =	sbr.rel @p0 .LBB2_1-.Ltmp1, $4  }
0xc2: {  	[sflag:s4] =	ssyncadd.s32 $0xFFFFE000  }
0xc3: {  	[hbm4b:s14+s6] =	stream.indirect.scatter [tilespmem:s13], [sflag:$0x1], $0x80, s10, s6, $0xb8;
	[tilespmem:$0x12100] =	vst v63  }
0xc4: {  	_ =	swait.ge [sflag:s7], $0x2000  }
0xc5: {  	[sflag:s7] =	ssyncset.done $0x0  }
.LBB2_2:
0xc6: {  	[sflag:s7] =	ssyncadd.s32 $0xFFFFE000  }
0xc7: {  	_ =	sfence.sel $0x180000  }
0xc8: {  	[bflag:$0x0] =	sbarrier.arrive $0xFFFF  }
0xc9: {  	p0 =	sne.s32 s0, $0x0;
	_ =	strace $0x90000047  }
0xca: {  	s0 =	sadd.s32 @!p0 $0x100000, s1;
	[bflag:$0x2] =	sbarrier.arrive $0xFFFF  }
0xcb: {  	[sflag:s0] =	ssyncadd.tile.s32 @!p0 $0x1;
	_ =	shalt  }
.Lfunc_end2:
_tile_overlayer_lowered:
.L_overlay_start_2:
0xcc: {  	(tag) =	ssettag $0x2  }
0xcd: {  	s0 =	rddreg [dreg:$0x0];
	s2 =	stileid.u32  }
0xce: {  	s1 =	rddreg [dreg:$0x1];
	p0 =	sne.s32 s2, $0x0  }
0xcf: {  	s3 =	rddreg [dreg:$0x2];
	[bflag:$0x3] =	sbarrier.arrive $0xFFFF;
	s2 =	simm.s32 @!p0 $0x1C02  }
0xd0: {  	[timem:s3], [sflag:s2] =	dma.local @!p0 [hbm:s0], s1  }
0xd1: {  	s0 =	simm.s32 @!p0 $0x2  }
0xd2: {  	_ =	swait.ge @!p0 [sflag:s0], s1  }
0xd3: {  	s1 =	ssub.s32 @!p0 $0x0, s1;
	[sflag:s0] =	ssyncset.done @!p0 $0x0  }
0xd4: {  	[sflag:s0] =	ssyncadd.s32 @!p0 s1  }
0xd5: {  	[bflag:$0x3] =	sbarrier.arrive $0xFFFF  }
0xd6: {  	_ =	shalt  }

</sc_bundles>
